<compile_context>
chip_gen: v7x
topology: tpu7x:2x2x1
jax: 0.10.2.dev20260603
libtpu: 0.0.44.dev20260713+nightly
codegen_flags: <defaults>
</compile_context>

<pallas_src>
import functools

import jax
import jax.numpy as jnp
from jax import lax
from jax.experimental import pallas as pl
from jax.experimental.pallas import tpu as pltpu
from jax.experimental.pallas import tpu_sc as plsc

NUM_CODES = 1024
DIM = 64
COMMIT = 0.25
K = 3
ROWS = 16384
BLOCK = 2048
GRID = ROWS // BLOCK

_NC, _NS = 2, 16
_NW = _NC * _NS
_RPW = ROWS // _NW
_CHUNK = 128
_NCHUNK = _RPW // _CHUNK


def _tc_body(x_ref, e_ref, enc_ref, i0_ref, i1_ref, i2_ref, loss_ref,
             perp_ref, cnt_ref, acc_ref):
    i = pl.program_id(0)
    x = x_ref[...]
    e = e_ref[...]

    xsq = jnp.sum(x * x, axis=1, keepdims=True)
    esq = jnp.sum(e * e, axis=1)[None, :]
    xe = jax.lax.dot_general(x, e, (((1,), (1,)), ((), ())),
                             preferred_element_type=jnp.float32)
    d = xsq + esq - 2.0 * xe

    iota = jax.lax.broadcasted_iota(jnp.int32, d.shape, 1)
    idx_refs = (i0_ref, i1_ref, i2_ref)
    for k in range(K):
        dmin = jnp.min(d, axis=1, keepdims=True)
        idx = jnp.min(jnp.where(d == dmin, iota, NUM_CODES), axis=1,
                      keepdims=True)
        idx_refs[k][...] = idx
        if k == 0:
            part_loss = jnp.sum(dmin, keepdims=True)[:1, :1]
        if k < K - 1:
            d = jnp.where(iota == idx, jnp.inf, d)

    last_oh = (iota == idx).astype(jnp.float32)
    enc_ref[...] = last_oh

    @pl.when(i == 0)
    def _():
        acc_ref[...] = jnp.zeros_like(acc_ref)
        cnt_ref[...] = jnp.zeros_like(cnt_ref)

    acc_ref[...] += part_loss
    cnt_ref[...] += jnp.sum(last_oh, axis=0, keepdims=True)

    @pl.when(i == GRID - 1)
    def _():
        loss_ref[...] = acc_ref[...] * (COMMIT / (ROWS * DIM))
        p = cnt_ref[...] * (1.0 / ROWS)
        perp_ref[...] = jnp.exp(-jnp.sum(p * jnp.log(p + 1e-10),
                                         keepdims=True))


@functools.cache
def _sc_gather_fn():
    mesh = plsc.VectorSubcoreMesh(core_axis_name="c", subcore_axis_name="s")
    row_ty = jax.ShapeDtypeStruct((ROWS, DIM), jnp.float32)

    @functools.partial(
        pl.kernel, mesh=mesh,
        compiler_params=pltpu.CompilerParams(use_tc_tiling_on_sc=False),
        out_type=(row_ty, row_ty, row_ty),
        scratch_types=[
            pltpu.VMEM((K * _RPW,), jnp.int32),
            pltpu.VMEM((K * _RPW, DIM), jnp.float32),
            pltpu.SemaphoreType.DMA,
        ],
    )
    def _sc_gather(table_hbm, i0_hbm, i1_hbm, i2_hbm, o0_hbm, o1_hbm, o2_hbm,
                   idx_v, rows_v, sem):
        wid = lax.axis_index("s") * _NC + lax.axis_index("c")
        base = wid * _RPW
        for k, idx_hbm in enumerate((i0_hbm, i1_hbm, i2_hbm)):
            pltpu.sync_copy(idx_hbm.at[pl.ds(base, _RPW)],
                            idx_v.at[pl.ds(k * _RPW, _RPW)])
        copies = []
        for c in range(K * _NCHUNK):
            copies.append(pltpu.async_copy(
                table_hbm.at[idx_v.at[pl.ds(c * _CHUNK, _CHUNK)]],
                rows_v.at[pl.ds(c * _CHUNK, _CHUNK)], sem))
        for cp in copies:
            cp.wait()
        for k, out_hbm in enumerate((o0_hbm, o1_hbm, o2_hbm)):
            pltpu.sync_copy(rows_v.at[pl.ds(k * _RPW, _RPW)],
                            out_hbm.at[pl.ds(base, _RPW)])

    return _sc_gather


def kernel(inputs, embedding_weight):
    flat = jnp.transpose(inputs, (0, 2, 3, 1)).reshape(ROWS, DIM)

    out_shapes = (
        jax.ShapeDtypeStruct((ROWS, NUM_CODES), jnp.float32),
        jax.ShapeDtypeStruct((ROWS, 1), jnp.int32),
        jax.ShapeDtypeStruct((ROWS, 1), jnp.int32),
        jax.ShapeDtypeStruct((ROWS, 1), jnp.int32),
        jax.ShapeDtypeStruct((1, 1), jnp.float32),
        jax.ShapeDtypeStruct((1, 1), jnp.float32),
    )
    enc, i0, i1, i2, loss, perp = pl.pallas_call(
        _tc_body,
        grid=(GRID,),
        in_specs=[
            pl.BlockSpec((BLOCK, DIM), lambda i: (i, 0)),
            pl.BlockSpec((NUM_CODES, DIM), lambda i: (0, 0)),
        ],
        out_specs=[
            pl.BlockSpec((BLOCK, NUM_CODES), lambda i: (i, 0)),
            pl.BlockSpec((BLOCK, 1), lambda i: (i, 0)),
            pl.BlockSpec((BLOCK, 1), lambda i: (i, 0)),
            pl.BlockSpec((BLOCK, 1), lambda i: (i, 0)),
            pl.BlockSpec((1, 1), lambda i: (0, 0)),
            pl.BlockSpec((1, 1), lambda i: (0, 0)),
        ],
        scratch_shapes=[
            pltpu.VMEM((1, NUM_CODES), jnp.float32),
            pltpu.VMEM((1, 1), jnp.float32),
        ],
        out_shape=out_shapes,
    )(flat, embedding_weight)

    q0, q1, q2 = _sc_gather_fn()(embedding_weight, i0.reshape(ROWS),
                                 i1.reshape(ROWS), i2.reshape(ROWS))
    in_shape = (16, 32, 32, DIM)
    q0r = q0.reshape(in_shape)
    q1r = q1.reshape(in_shape)
    q2r = q2.reshape(in_shape)
    quantized = jnp.transpose(q0r, (0, 3, 1, 2))
    return (loss[0, 0], quantized, perp[0, 0], enc, (q0r, q1r, q2r))

# --- scband reference (transcript-rebuilt; emitter-appended) ---
"""Pipeline reference for scband-vector-quantizer-ema-16509854286136 (READ-ONLY COPY).

The authoritative reference and input builder live on the scoring server;
editing this copy changes nothing except your own understanding.
"""

import jax, jax.numpy as jnp
import numpy as np

NUM_EMBEDDINGS = 1024
EMBEDDING_DIM = 64
COMMITMENT_COST = 0.25
TOP_K = 3


def setup_inputs(seed: int = 0) -> dict:
    key = jax.random.key(seed)
    k1, k2 = jax.random.split(key)
    inputs = jax.random.normal(k1, (16, 64, 32, 32), dtype=jnp.float32)
    embedding_weight = jax.random.normal(k2, (NUM_EMBEDDINGS, EMBEDDING_DIM), dtype=jnp.float32)
    return {"inputs": inputs, "embedding_weight": embedding_weight}


def reference(inputs, embedding_weight):
    # BCHW -> BHWC
    x = jnp.transpose(inputs, (0, 2, 3, 1))
    input_shape = x.shape
    flat_input = x.reshape(-1, EMBEDDING_DIM)

    # squared L2 distances to codebook entries
    distances = (jnp.sum(flat_input ** 2, axis=1, keepdims=True)
                 + jnp.sum(embedding_weight ** 2, axis=1)
                 - 2.0 * jnp.matmul(flat_input, embedding_weight.T))

    # top-k SMALLEST distances (torch.topk largest=False)
    _, top_k_indices = jax.lax.top_k(-distances, TOP_K)

    top_k_encodings = []
    top_k_quantized = []
    for i in range(TOP_K):
        idx = top_k_indices[:, i]
        encodings = jax.nn.one_hot(idx, NUM_EMBEDDINGS, dtype=jnp.float32)
        top_k_encodings.append(encodings)
        quantized = jnp.matmul(encodings, embedding_weight).reshape(input_shape)
        top_k_quantized.append(quantized)

    # eval mode: no EMA buffer updates
    encodings = top_k_encodings[-1]  # torch code reuses loop variable: last iteration's encodings

    e_latent_loss = jnp.mean((jax.lax.stop_gradient(top_k_quantized[0]) - x) ** 2)
    loss = COMMITMENT_COST * e_latent_loss

    quantized = x + jax.lax.stop_gradient(top_k_quantized[0] - x)
    top_k_quantized = [x + jax.lax.stop_gradient(q - x) for q in top_k_quantized]

    avg_probs = jnp.mean(encodings, axis=0)
    perplexity = jnp.exp(-jnp.sum(avg_probs * jnp.log(avg_probs + 1e-10)))

    return (loss,
            jnp.transpose(quantized, (0, 3, 1, 2)),
            perplexity,
            encodings,
            tuple(top_k_quantized))

if __name__ == "__main__":
    import jax
    _d = setup_inputs()
    print(jax.jit(kernel)(*tuple(_d.values())))

</pallas_src>

<mosaic_0001>
#map = affine_map<(d0, d1) -> (0, 0)>
#map1 = affine_map<(d0, d1) -> (0)>
module attributes {stable_mosaic.version = 14 : i64} {
  func.func @_sc_gather(%arg0: i32, %arg1: i32, %arg2: memref<1024x64xf32, #tpu.memory_space<hbm>>, %arg3: memref<16384xi32, #tpu.memory_space<hbm>>, %arg4: memref<16384xi32, #tpu.memory_space<hbm>>, %arg5: memref<16384xi32, #tpu.memory_space<hbm>>, %arg6: memref<16384x64xf32, #tpu.memory_space<hbm>>, %arg7: memref<16384x64xf32, #tpu.memory_space<hbm>>, %arg8: memref<16384x64xf32, #tpu.memory_space<hbm>>, %arg9: memref<1536xi32, #tpu.memory_space<vmem>>, %arg10: memref<1536x64xf32, #tpu.memory_space<vmem>>, %arg11: memref<!tpu.dma_semaphore, #tpu.memory_space<semaphore_mem>>) attributes {dimension_semantics = [#tpu.dimension_semantics<core_parallel>, #tpu.dimension_semantics<subcore_parallel>], iteration_bounds = array<i64: 2, 16>, scalar_prefetch = 0 : i64, scratch_operands = 3 : i64, tpu.core_type = #tpu.core_type<sc_vector_subcore>, window_params = [{transform_indices = #map}, {transform_indices = #map1}, {transform_indices = #map1}, {transform_indices = #map1}, {transform_indices = #map}, {transform_indices = #map}, {transform_indices = #map}]} {
    %mul3A = arith.constant 2 : i32
    %mul3A_0 = arith.muli %arg1, %mul3A : i32
    %add3A = arith.addi %mul3A_0, %arg0 : i32
    %mul3A_1 = arith.constant 512 : i32
    %mul3A_2 = arith.muli %add3A, %mul3A_1 : i32
    "tpu.region"() ({
      %run_scoped3A = tpu.sem_alloc : memref<!tpu.dma_semaphore, #tpu.memory_space<semaphore_mem>>
      %dma_start3A_193 = arith.constant 0 : i32
      %dma_start3A_194 = tpu.memref_slice %arg9[%dma_start3A_193] : memref<1536xi32, #tpu.memory_space<vmem>> -> memref<512xi32, #tpu.memory_space<vmem>>
      %dma_start3A_195 = tpu.memref_slice %arg3[%mul3A_2] : memref<16384xi32, #tpu.memory_space<hbm>> -> memref<512xi32, #tpu.memory_space<hbm>>
      %dma_start3A_196 = arith.constant 0 : i32
      %dma_start3A_197 = tpu.memref_slice %arg9[%dma_start3A_196] : memref<1536xi32, #tpu.memory_space<vmem>> -> memref<512xi32, #tpu.memory_space<vmem>>
      %dma_start3A_198 = tpu.memref_slice %arg3[%mul3A_2] : memref<16384xi32, #tpu.memory_space<hbm>> -> memref<512xi32, #tpu.memory_space<hbm>>
      tpu.enqueue_dma source(%dma_start3A_198 : memref<512xi32, #tpu.memory_space<hbm>>) target(%dma_start3A_197 : memref<512xi32, #tpu.memory_space<vmem>>) target_semaphore(%run_scoped3A : memref<!tpu.dma_semaphore, #tpu.memory_space<semaphore_mem>>)
      %dma_wait3A_199 = arith.constant 0 : i32
      %dma_wait3A_200 = tpu.memref_slice %arg9[%dma_wait3A_199] : memref<1536xi32, #tpu.memory_space<vmem>> -> memref<512xi32, #tpu.memory_space<vmem>>
      %dma_wait3A_201 = tpu.memref_slice %arg3[%mul3A_2] : memref<16384xi32, #tpu.memory_space<hbm>> -> memref<512xi32, #tpu.memory_space<hbm>>
      %dma_wait3A_202 = arith.constant 0 : i32
      %dma_wait3A_203 = tpu.memref_slice %arg9[%dma_wait3A_202] : memref<1536xi32, #tpu.memory_space<vmem>> -> memref<512xi32, #tpu.memory_space<vmem>>
      %dma_wait3A_204 = tpu.memref_slice %arg3[%mul3A_2] : memref<16384xi32, #tpu.memory_space<hbm>> -> memref<512xi32, #tpu.memory_space<hbm>>
      tpu.wait_dma2 semaphore(%run_scoped3A : memref<!tpu.dma_semaphore, #tpu.memory_space<semaphore_mem>>) src(%dma_wait3A_204 : memref<512xi32, #tpu.memory_space<hbm>>) dst(%dma_wait3A_203 : memref<512xi32, #tpu.memory_space<vmem>>)
      tpu.yield
    }) : () -> ()
    "tpu.region"() ({
      %run_scoped3A = tpu.sem_alloc : memref<!tpu.dma_semaphore, #tpu.memory_space<semaphore_mem>>
      %dma_start3A_193 = arith.constant 512 : i32
      %dma_start3A_194 = tpu.memref_slice %arg9[%dma_start3A_193] : memref<1536xi32, #tpu.memory_space<vmem>> -> memref<512xi32, #tpu.memory_space<vmem>>
      %dma_start3A_195 = tpu.memref_slice %arg4[%mul3A_2] : memref<16384xi32, #tpu.memory_space<hbm>> -> memref<512xi32, #tpu.memory_space<hbm>>
      %dma_start3A_196 = arith.constant 512 : i32
      %dma_start3A_197 = tpu.memref_slice %arg9[%dma_start3A_196] : memref<1536xi32, #tpu.memory_space<vmem>> -> memref<512xi32, #tpu.memory_space<vmem>>
      %dma_start3A_198 = tpu.memref_slice %arg4[%mul3A_2] : memref<16384xi32, #tpu.memory_space<hbm>> -> memref<512xi32, #tpu.memory_space<hbm>>
      tpu.enqueue_dma source(%dma_start3A_198 : memref<512xi32, #tpu.memory_space<hbm>>) target(%dma_start3A_197 : memref<512xi32, #tpu.memory_space<vmem>>) target_semaphore(%run_scoped3A : memref<!tpu.dma_semaphore, #tpu.memory_space<semaphore_mem>>)
      %dma_wait3A_199 = arith.constant 512 : i32
      %dma_wait3A_200 = tpu.memref_slice %arg9[%dma_wait3A_199] : memref<1536xi32, #tpu.memory_space<vmem>> -> memref<512xi32, #tpu.memory_space<vmem>>
      %dma_wait3A_201 = tpu.memref_slice %arg4[%mul3A_2] : memref<16384xi32, #tpu.memory_space<hbm>> -> memref<512xi32, #tpu.memory_space<hbm>>
      %dma_wait3A_202 = arith.constant 512 : i32
      %dma_wait3A_203 = tpu.memref_slice %arg9[%dma_wait3A_202] : memref<1536xi32, #tpu.memory_space<vmem>> -> memref<512xi32, #tpu.memory_space<vmem>>
      %dma_wait3A_204 = tpu.memref_slice %arg4[%mul3A_2] : memref<16384xi32, #tpu.memory_space<hbm>> -> memref<512xi32, #tpu.memory_space<hbm>>
      tpu.wait_dma2 semaphore(%run_scoped3A : memref<!tpu.dma_semaphore, #tpu.memory_space<semaphore_mem>>) src(%dma_wait3A_204 : memref<512xi32, #tpu.memory_space<hbm>>) dst(%dma_wait3A_203 : memref<512xi32, #tpu.memory_space<vmem>>)
      tpu.yield
    }) : () -> ()
    "tpu.region"() ({
      %run_scoped3A = tpu.sem_alloc : memref<!tpu.dma_semaphore, #tpu.memory_space<semaphore_mem>>
      %dma_start3A_193 = arith.constant 1024 : i32
      %dma_start3A_194 = tpu.memref_slice %arg9[%dma_start3A_193] : memref<1536xi32, #tpu.memory_space<vmem>> -> memref<512xi32, #tpu.memory_space<vmem>>
      %dma_start3A_195 = tpu.memref_slice %arg5[%mul3A_2] : memref<16384xi32, #tpu.memory_space<hbm>> -> memref<512xi32, #tpu.memory_space<hbm>>
      %dma_start3A_196 = arith.constant 1024 : i32
      %dma_start3A_197 = tpu.memref_slice %arg9[%dma_start3A_196] : memref<1536xi32, #tpu.memory_space<vmem>> -> memref<512xi32, #tpu.memory_space<vmem>>
      %dma_start3A_198 = tpu.memref_slice %arg5[%mul3A_2] : memref<16384xi32, #tpu.memory_space<hbm>> -> memref<512xi32, #tpu.memory_space<hbm>>
      tpu.enqueue_dma source(%dma_start3A_198 : memref<512xi32, #tpu.memory_space<hbm>>) target(%dma_start3A_197 : memref<512xi32, #tpu.memory_space<vmem>>) target_semaphore(%run_scoped3A : memref<!tpu.dma_semaphore, #tpu.memory_space<semaphore_mem>>)
      %dma_wait3A_199 = arith.constant 1024 : i32
      %dma_wait3A_200 = tpu.memref_slice %arg9[%dma_wait3A_199] : memref<1536xi32, #tpu.memory_space<vmem>> -> memref<512xi32, #tpu.memory_space<vmem>>
      %dma_wait3A_201 = tpu.memref_slice %arg5[%mul3A_2] : memref<16384xi32, #tpu.memory_space<hbm>> -> memref<512xi32, #tpu.memory_space<hbm>>
      %dma_wait3A_202 = arith.constant 1024 : i32
      %dma_wait3A_203 = tpu.memref_slice %arg9[%dma_wait3A_202] : memref<1536xi32, #tpu.memory_space<vmem>> -> memref<512xi32, #tpu.memory_space<vmem>>
      %dma_wait3A_204 = tpu.memref_slice %arg5[%mul3A_2] : memref<16384xi32, #tpu.memory_space<hbm>> -> memref<512xi32, #tpu.memory_space<hbm>>
      tpu.wait_dma2 semaphore(%run_scoped3A : memref<!tpu.dma_semaphore, #tpu.memory_space<semaphore_mem>>) src(%dma_wait3A_204 : memref<512xi32, #tpu.memory_space<hbm>>) dst(%dma_wait3A_203 : memref<512xi32, #tpu.memory_space<vmem>>)
      tpu.yield
    }) : () -> ()
    %dma_start3A = arith.constant 0 : i32
    %dma_start3A_3 = arith.constant 0 : i32
    %dma_start3A_4 = tpu.memref_slice %arg10[%dma_start3A, %dma_start3A_3] : memref<1536x64xf32, #tpu.memory_space<vmem>> -> memref<128x64xf32, #tpu.memory_space<vmem>>
    %dma_start3A_5 = arith.constant 0 : i32
    %dma_start3A_6 = tpu.memref_slice %arg9[%dma_start3A_5] : memref<1536xi32, #tpu.memory_space<vmem>> -> memref<128xi32, #tpu.memory_space<vmem>>
    %dma_start3A_7 = arith.constant 0 : i32
    %dma_start3A_8 = arith.constant 0 : i32
    %dma_start3A_9 = tpu.memref_slice %arg2[%dma_start3A_7, %dma_start3A_8] : memref<1024x64xf32, #tpu.memory_space<hbm>> -> memref<1024x64xf32, #tpu.memory_space<hbm>>
    tpu.enqueue_indirect_dma source(%dma_start3A_9 : memref<1024x64xf32, #tpu.memory_space<hbm>>) target(%dma_start3A_4 : memref<128x64xf32, #tpu.memory_space<vmem>>) offsets(%dma_start3A_6 : memref<128xi32, #tpu.memory_space<vmem>>) semaphore(%arg11 : memref<!tpu.dma_semaphore, #tpu.memory_space<semaphore_mem>>)
    %dma_start3A_10 = arith.constant 128 : i32
    %dma_start3A_11 = arith.constant 0 : i32
    %dma_start3A_12 = tpu.memref_slice %arg10[%dma_start3A_10, %dma_start3A_11] : memref<1536x64xf32, #tpu.memory_space<vmem>> -> memref<128x64xf32, #tpu.memory_space<vmem>>
    %dma_start3A_13 = arith.constant 128 : i32
    %dma_start3A_14 = tpu.memref_slice %arg9[%dma_start3A_13] : memref<1536xi32, #tpu.memory_space<vmem>> -> memref<128xi32, #tpu.memory_space<vmem>>
    %dma_start3A_15 = arith.constant 0 : i32
    %dma_start3A_16 = arith.constant 0 : i32
    %dma_start3A_17 = tpu.memref_slice %arg2[%dma_start3A_15, %dma_start3A_16] : memref<1024x64xf32, #tpu.memory_space<hbm>> -> memref<1024x64xf32, #tpu.memory_space<hbm>>
    tpu.enqueue_indirect_dma source(%dma_start3A_17 : memref<1024x64xf32, #tpu.memory_space<hbm>>) target(%dma_start3A_12 : memref<128x64xf32, #tpu.memory_space<vmem>>) offsets(%dma_start3A_14 : memref<128xi32, #tpu.memory_space<vmem>>) semaphore(%arg11 : memref<!tpu.dma_semaphore, #tpu.memory_space<semaphore_mem>>)
    %dma_start3A_18 = arith.constant 256 : i32
    %dma_start3A_19 = arith.constant 0 : i32
    %dma_start3A_20 = tpu.memref_slice %arg10[%dma_start3A_18, %dma_start3A_19] : memref<1536x64xf32, #tpu.memory_space<vmem>> -> memref<128x64xf32, #tpu.memory_space<vmem>>
    %dma_start3A_21 = arith.constant 256 : i32
    %dma_start3A_22 = tpu.memref_slice %arg9[%dma_start3A_21] : memref<1536xi32, #tpu.memory_space<vmem>> -> memref<128xi32, #tpu.memory_space<vmem>>
    %dma_start3A_23 = arith.constant 0 : i32
    %dma_start3A_24 = arith.constant 0 : i32
    %dma_start3A_25 = tpu.memref_slice %arg2[%dma_start3A_23, %dma_start3A_24] : memref<1024x64xf32, #tpu.memory_space<hbm>> -> memref<1024x64xf32, #tpu.memory_space<hbm>>
    tpu.enqueue_indirect_dma source(%dma_start3A_25 : memref<1024x64xf32, #tpu.memory_space<hbm>>) target(%dma_start3A_20 : memref<128x64xf32, #tpu.memory_space<vmem>>) offsets(%dma_start3A_22 : memref<128xi32, #tpu.memory_space<vmem>>) semaphore(%arg11 : memref<!tpu.dma_semaphore, #tpu.memory_space<semaphore_mem>>)
    %dma_start3A_26 = arith.constant 384 : i32
    %dma_start3A_27 = arith.constant 0 : i32
    %dma_start3A_28 = tpu.memref_slice %arg10[%dma_start3A_26, %dma_start3A_27] : memref<1536x64xf32, #tpu.memory_space<vmem>> -> memref<128x64xf32, #tpu.memory_space<vmem>>
    %dma_start3A_29 = arith.constant 384 : i32
    %dma_start3A_30 = tpu.memref_slice %arg9[%dma_start3A_29] : memref<1536xi32, #tpu.memory_space<vmem>> -> memref<128xi32, #tpu.memory_space<vmem>>
    %dma_start3A_31 = arith.constant 0 : i32
    %dma_start3A_32 = arith.constant 0 : i32
    %dma_start3A_33 = tpu.memref_slice %arg2[%dma_start3A_31, %dma_start3A_32] : memref<1024x64xf32, #tpu.memory_space<hbm>> -> memref<1024x64xf32, #tpu.memory_space<hbm>>
    tpu.enqueue_indirect_dma source(%dma_start3A_33 : memref<1024x64xf32, #tpu.memory_space<hbm>>) target(%dma_start3A_28 : memref<128x64xf32, #tpu.memory_space<vmem>>) offsets(%dma_start3A_30 : memref<128xi32, #tpu.memory_space<vmem>>) semaphore(%arg11 : memref<!tpu.dma_semaphore, #tpu.memory_space<semaphore_mem>>)
    %dma_start3A_34 = arith.constant 512 : i32
    %dma_start3A_35 = arith.constant 0 : i32
    %dma_start3A_36 = tpu.memref_slice %arg10[%dma_start3A_34, %dma_start3A_35] : memref<1536x64xf32, #tpu.memory_space<vmem>> -> memref<128x64xf32, #tpu.memory_space<vmem>>
    %dma_start3A_37 = arith.constant 512 : i32
    %dma_start3A_38 = tpu.memref_slice %arg9[%dma_start3A_37] : memref<1536xi32, #tpu.memory_space<vmem>> -> memref<128xi32, #tpu.memory_space<vmem>>
    %dma_start3A_39 = arith.constant 0 : i32
    %dma_start3A_40 = arith.constant 0 : i32
    %dma_start3A_41 = tpu.memref_slice %arg2[%dma_start3A_39, %dma_start3A_40] : memref<1024x64xf32, #tpu.memory_space<hbm>> -> memref<1024x64xf32, #tpu.memory_space<hbm>>
    tpu.enqueue_indirect_dma source(%dma_start3A_41 : memref<1024x64xf32, #tpu.memory_space<hbm>>) target(%dma_start3A_36 : memref<128x64xf32, #tpu.memory_space<vmem>>) offsets(%dma_start3A_38 : memref<128xi32, #tpu.memory_space<vmem>>) semaphore(%arg11 : memref<!tpu.dma_semaphore, #tpu.memory_space<semaphore_mem>>)
    %dma_start3A_42 = arith.constant 640 : i32
    %dma_start3A_43 = arith.constant 0 : i32
    %dma_start3A_44 = tpu.memref_slice %arg10[%dma_start3A_42, %dma_start3A_43] : memref<1536x64xf32, #tpu.memory_space<vmem>> -> memref<128x64xf32, #tpu.memory_space<vmem>>
    %dma_start3A_45 = arith.constant 640 : i32
    %dma_start3A_46 = tpu.memref_slice %arg9[%dma_start3A_45] : memref<1536xi32, #tpu.memory_space<vmem>> -> memref<128xi32, #tpu.memory_space<vmem>>
    %dma_start3A_47 = arith.constant 0 : i32
    %dma_start3A_48 = arith.constant 0 : i32
    %dma_start3A_49 = tpu.memref_slice %arg2[%dma_start3A_47, %dma_start3A_48] : memref<1024x64xf32, #tpu.memory_space<hbm>> -> memref<1024x64xf32, #tpu.memory_space<hbm>>
    tpu.enqueue_indirect_dma source(%dma_start3A_49 : memref<1024x64xf32, #tpu.memory_space<hbm>>) target(%dma_start3A_44 : memref<128x64xf32, #tpu.memory_space<vmem>>) offsets(%dma_start3A_46 : memref<128xi32, #tpu.memory_space<vmem>>) semaphore(%arg11 : memref<!tpu.dma_semaphore, #tpu.memory_space<semaphore_mem>>)
    %dma_start3A_50 = arith.constant 768 : i32
    %dma_start3A_51 = arith.constant 0 : i32
    %dma_start3A_52 = tpu.memref_slice %arg10[%dma_start3A_50, %dma_start3A_51] : memref<1536x64xf32, #tpu.memory_space<vmem>> -> memref<128x64xf32, #tpu.memory_space<vmem>>
    %dma_start3A_53 = arith.constant 768 : i32
    %dma_start3A_54 = tpu.memref_slice %arg9[%dma_start3A_53] : memref<1536xi32, #tpu.memory_space<vmem>> -> memref<128xi32, #tpu.memory_space<vmem>>
    %dma_start3A_55 = arith.constant 0 : i32
    %dma_start3A_56 = arith.constant 0 : i32
    %dma_start3A_57 = tpu.memref_slice %arg2[%dma_start3A_55, %dma_start3A_56] : memref<1024x64xf32, #tpu.memory_space<hbm>> -> memref<1024x64xf32, #tpu.memory_space<hbm>>
    tpu.enqueue_indirect_dma source(%dma_start3A_57 : memref<1024x64xf32, #tpu.memory_space<hbm>>) target(%dma_start3A_52 : memref<128x64xf32, #tpu.memory_space<vmem>>) offsets(%dma_start3A_54 : memref<128xi32, #tpu.memory_space<vmem>>) semaphore(%arg11 : memref<!tpu.dma_semaphore, #tpu.memory_space<semaphore_mem>>)
    %dma_start3A_58 = arith.constant 896 : i32
    %dma_start3A_59 = arith.constant 0 : i32
    %dma_start3A_60 = tpu.memref_slice %arg10[%dma_start3A_58, %dma_start3A_59] : memref<1536x64xf32, #tpu.memory_space<vmem>> -> memref<128x64xf32, #tpu.memory_space<vmem>>
    %dma_start3A_61 = arith.constant 896 : i32
    %dma_start3A_62 = tpu.memref_slice %arg9[%dma_start3A_61] : memref<1536xi32, #tpu.memory_space<vmem>> -> memref<128xi32, #tpu.memory_space<vmem>>
    %dma_start3A_63 = arith.constant 0 : i32
    %dma_start3A_64 = arith.constant 0 : i32
    %dma_start3A_65 = tpu.memref_slice %arg2[%dma_start3A_63, %dma_start3A_64] : memref<1024x64xf32, #tpu.memory_space<hbm>> -> memref<1024x64xf32, #tpu.memory_space<hbm>>
    tpu.enqueue_indirect_dma source(%dma_start3A_65 : memref<1024x64xf32, #tpu.memory_space<hbm>>) target(%dma_start3A_60 : memref<128x64xf32, #tpu.memory_space<vmem>>) offsets(%dma_start3A_62 : memref<128xi32, #tpu.memory_space<vmem>>) semaphore(%arg11 : memref<!tpu.dma_semaphore, #tpu.memory_space<semaphore_mem>>)
    %dma_start3A_66 = arith.constant 1024 : i32
    %dma_start3A_67 = arith.constant 0 : i32
    %dma_start3A_68 = tpu.memref_slice %arg10[%dma_start3A_66, %dma_start3A_67] : memref<1536x64xf32, #tpu.memory_space<vmem>> -> memref<128x64xf32, #tpu.memory_space<vmem>>
    %dma_start3A_69 = arith.constant 1024 : i32
    %dma_start3A_70 = tpu.memref_slice %arg9[%dma_start3A_69] : memref<1536xi32, #tpu.memory_space<vmem>> -> memref<128xi32, #tpu.memory_space<vmem>>
    %dma_start3A_71 = arith.constant 0 : i32
    %dma_start3A_72 = arith.constant 0 : i32
    %dma_start3A_73 = tpu.memref_slice %arg2[%dma_start3A_71, %dma_start3A_72] : memref<1024x64xf32, #tpu.memory_space<hbm>> -> memref<1024x64xf32, #tpu.memory_space<hbm>>
    tpu.enqueue_indirect_dma source(%dma_start3A_73 : memref<1024x64xf32, #tpu.memory_space<hbm>>) target(%dma_start3A_68 : memref<128x64xf32, #tpu.memory_space<vmem>>) offsets(%dma_start3A_70 : memref<128xi32, #tpu.memory_space<vmem>>) semaphore(%arg11 : memref<!tpu.dma_semaphore, #tpu.memory_space<semaphore_mem>>)
    %dma_start3A_74 = arith.constant 1152 : i32
    %dma_start3A_75 = arith.constant 0 : i32
    %dma_start3A_76 = tpu.memref_slice %arg10[%dma_start3A_74, %dma_start3A_75] : memref<1536x64xf32, #tpu.memory_space<vmem>> -> memref<128x64xf32, #tpu.memory_space<vmem>>
    %dma_start3A_77 = arith.constant 1152 : i32
    %dma_start3A_78 = tpu.memref_slice %arg9[%dma_start3A_77] : memref<1536xi32, #tpu.memory_space<vmem>> -> memref<128xi32, #tpu.memory_space<vmem>>
    %dma_start3A_79 = arith.constant 0 : i32
    %dma_start3A_80 = arith.constant 0 : i32
    %dma_start3A_81 = tpu.memref_slice %arg2[%dma_start3A_79, %dma_start3A_80] : memref<1024x64xf32, #tpu.memory_space<hbm>> -> memref<1024x64xf32, #tpu.memory_space<hbm>>
    tpu.enqueue_indirect_dma source(%dma_start3A_81 : memref<1024x64xf32, #tpu.memory_space<hbm>>) target(%dma_start3A_76 : memref<128x64xf32, #tpu.memory_space<vmem>>) offsets(%dma_start3A_78 : memref<128xi32, #tpu.memory_space<vmem>>) semaphore(%arg11 : memref<!tpu.dma_semaphore, #tpu.memory_space<semaphore_mem>>)
    %dma_start3A_82 = arith.constant 1280 : i32
    %dma_start3A_83 = arith.constant 0 : i32
    %dma_start3A_84 = tpu.memref_slice %arg10[%dma_start3A_82, %dma_start3A_83] : memref<1536x64xf32, #tpu.memory_space<vmem>> -> memref<128x64xf32, #tpu.memory_space<vmem>>
    %dma_start3A_85 = arith.constant 1280 : i32
    %dma_start3A_86 = tpu.memref_slice %arg9[%dma_start3A_85] : memref<1536xi32, #tpu.memory_space<vmem>> -> memref<128xi32, #tpu.memory_space<vmem>>
    %dma_start3A_87 = arith.constant 0 : i32
    %dma_start3A_88 = arith.constant 0 : i32
    %dma_start3A_89 = tpu.memref_slice %arg2[%dma_start3A_87, %dma_start3A_88] : memref<1024x64xf32, #tpu.memory_space<hbm>> -> memref<1024x64xf32, #tpu.memory_space<hbm>>
    tpu.enqueue_indirect_dma source(%dma_start3A_89 : memref<1024x64xf32, #tpu.memory_space<hbm>>) target(%dma_start3A_84 : memref<128x64xf32, #tpu.memory_space<vmem>>) offsets(%dma_start3A_86 : memref<128xi32, #tpu.memory_space<vmem>>) semaphore(%arg11 : memref<!tpu.dma_semaphore, #tpu.memory_space<semaphore_mem>>)
    %dma_start3A_90 = arith.constant 1408 : i32
    %dma_start3A_91 = arith.constant 0 : i32
    %dma_start3A_92 = tpu.memref_slice %arg10[%dma_start3A_90, %dma_start3A_91] : memref<1536x64xf32, #tpu.memory_space<vmem>> -> memref<128x64xf32, #tpu.memory_space<vmem>>
    %dma_start3A_93 = arith.constant 1408 : i32
    %dma_start3A_94 = tpu.memref_slice %arg9[%dma_start3A_93] : memref<1536xi32, #tpu.memory_space<vmem>> -> memref<128xi32, #tpu.memory_space<vmem>>
    %dma_start3A_95 = arith.constant 0 : i32
    %dma_start3A_96 = arith.constant 0 : i32
    %dma_start3A_97 = tpu.memref_slice %arg2[%dma_start3A_95, %dma_start3A_96] : memref<1024x64xf32, #tpu.memory_space<hbm>> -> memref<1024x64xf32, #tpu.memory_space<hbm>>
    tpu.enqueue_indirect_dma source(%dma_start3A_97 : memref<1024x64xf32, #tpu.memory_space<hbm>>) target(%dma_start3A_92 : memref<128x64xf32, #tpu.memory_space<vmem>>) offsets(%dma_start3A_94 : memref<128xi32, #tpu.memory_space<vmem>>) semaphore(%arg11 : memref<!tpu.dma_semaphore, #tpu.memory_space<semaphore_mem>>)
    %dma_wait3A = arith.constant 0 : i32
    %dma_wait3A_98 = arith.constant 0 : i32
    %dma_wait3A_99 = tpu.memref_slice %arg10[%dma_wait3A, %dma_wait3A_98] : memref<1536x64xf32, #tpu.memory_space<vmem>> -> memref<128x64xf32, #tpu.memory_space<vmem>>
    %dma_wait3A_100 = arith.constant 0 : i32
    %dma_wait3A_101 = tpu.memref_slice %arg9[%dma_wait3A_100] : memref<1536xi32, #tpu.memory_space<vmem>> -> memref<128xi32, #tpu.memory_space<vmem>>
    %dma_wait3A_102 = arith.constant 0 : i32
    %dma_wait3A_103 = arith.constant 0 : i32
    %dma_wait3A_104 = tpu.memref_slice %arg2[%dma_wait3A_102, %dma_wait3A_103] : memref<1024x64xf32, #tpu.memory_space<hbm>> -> memref<1024x64xf32, #tpu.memory_space<hbm>>
    tpu.wait_indirect_dma semaphore(%arg11 : memref<!tpu.dma_semaphore, #tpu.memory_space<semaphore_mem>>) src(%dma_wait3A_104 : memref<1024x64xf32, #tpu.memory_space<hbm>>) dst(%dma_wait3A_99 : memref<128x64xf32, #tpu.memory_space<vmem>>)
    %dma_wait3A_105 = arith.constant 128 : i32
    %dma_wait3A_106 = arith.constant 0 : i32
    %dma_wait3A_107 = tpu.memref_slice %arg10[%dma_wait3A_105, %dma_wait3A_106] : memref<1536x64xf32, #tpu.memory_space<vmem>> -> memref<128x64xf32, #tpu.memory_space<vmem>>
    %dma_wait3A_108 = arith.constant 128 : i32
    %dma_wait3A_109 = tpu.memref_slice %arg9[%dma_wait3A_108] : memref<1536xi32, #tpu.memory_space<vmem>> -> memref<128xi32, #tpu.memory_space<vmem>>
    %dma_wait3A_110 = arith.constant 0 : i32
    %dma_wait3A_111 = arith.constant 0 : i32
    %dma_wait3A_112 = tpu.memref_slice %arg2[%dma_wait3A_110, %dma_wait3A_111] : memref<1024x64xf32, #tpu.memory_space<hbm>> -> memref<1024x64xf32, #tpu.memory_space<hbm>>
    tpu.wait_indirect_dma semaphore(%arg11 : memref<!tpu.dma_semaphore, #tpu.memory_space<semaphore_mem>>) src(%dma_wait3A_112 : memref<1024x64xf32, #tpu.memory_space<hbm>>) dst(%dma_wait3A_107 : memref<128x64xf32, #tpu.memory_space<vmem>>)
    %dma_wait3A_113 = arith.constant 256 : i32
    %dma_wait3A_114 = arith.constant 0 : i32
    %dma_wait3A_115 = tpu.memref_slice %arg10[%dma_wait3A_113, %dma_wait3A_114] : memref<1536x64xf32, #tpu.memory_space<vmem>> -> memref<128x64xf32, #tpu.memory_space<vmem>>
    %dma_wait3A_116 = arith.constant 256 : i32
    %dma_wait3A_117 = tpu.memref_slice %arg9[%dma_wait3A_116] : memref<1536xi32, #tpu.memory_space<vmem>> -> memref<128xi32, #tpu.memory_space<vmem>>
    %dma_wait3A_118 = arith.constant 0 : i32
    %dma_wait3A_119 = arith.constant 0 : i32
    %dma_wait3A_120 = tpu.memref_slice %arg2[%dma_wait3A_118, %dma_wait3A_119] : memref<1024x64xf32, #tpu.memory_space<hbm>> -> memref<1024x64xf32, #tpu.memory_space<hbm>>
    tpu.wait_indirect_dma semaphore(%arg11 : memref<!tpu.dma_semaphore, #tpu.memory_space<semaphore_mem>>) src(%dma_wait3A_120 : memref<1024x64xf32, #tpu.memory_space<hbm>>) dst(%dma_wait3A_115 : memref<128x64xf32, #tpu.memory_space<vmem>>)
    %dma_wait3A_121 = arith.constant 384 : i32
    %dma_wait3A_122 = arith.constant 0 : i32
    %dma_wait3A_123 = tpu.memref_slice %arg10[%dma_wait3A_121, %dma_wait3A_122] : memref<1536x64xf32, #tpu.memory_space<vmem>> -> memref<128x64xf32, #tpu.memory_space<vmem>>
    %dma_wait3A_124 = arith.constant 384 : i32
    %dma_wait3A_125 = tpu.memref_slice %arg9[%dma_wait3A_124] : memref<1536xi32, #tpu.memory_space<vmem>> -> memref<128xi32, #tpu.memory_space<vmem>>
    %dma_wait3A_126 = arith.constant 0 : i32
    %dma_wait3A_127 = arith.constant 0 : i32
    %dma_wait3A_128 = tpu.memref_slice %arg2[%dma_wait3A_126, %dma_wait3A_127] : memref<1024x64xf32, #tpu.memory_space<hbm>> -> memref<1024x64xf32, #tpu.memory_space<hbm>>
    tpu.wait_indirect_dma semaphore(%arg11 : memref<!tpu.dma_semaphore, #tpu.memory_space<semaphore_mem>>) src(%dma_wait3A_128 : memref<1024x64xf32, #tpu.memory_space<hbm>>) dst(%dma_wait3A_123 : memref<128x64xf32, #tpu.memory_space<vmem>>)
    %dma_wait3A_129 = arith.constant 512 : i32
    %dma_wait3A_130 = arith.constant 0 : i32
    %dma_wait3A_131 = tpu.memref_slice %arg10[%dma_wait3A_129, %dma_wait3A_130] : memref<1536x64xf32, #tpu.memory_space<vmem>> -> memref<128x64xf32, #tpu.memory_space<vmem>>
    %dma_wait3A_132 = arith.constant 512 : i32
    %dma_wait3A_133 = tpu.memref_slice %arg9[%dma_wait3A_132] : memref<1536xi32, #tpu.memory_space<vmem>> -> memref<128xi32, #tpu.memory_space<vmem>>
    %dma_wait3A_134 = arith.constant 0 : i32
    %dma_wait3A_135 = arith.constant 0 : i32
    %dma_wait3A_136 = tpu.memref_slice %arg2[%dma_wait3A_134, %dma_wait3A_135] : memref<1024x64xf32, #tpu.memory_space<hbm>> -> memref<1024x64xf32, #tpu.memory_space<hbm>>
    tpu.wait_indirect_dma semaphore(%arg11 : memref<!tpu.dma_semaphore, #tpu.memory_space<semaphore_mem>>) src(%dma_wait3A_136 : memref<1024x64xf32, #tpu.memory_space<hbm>>) dst(%dma_wait3A_131 : memref<128x64xf32, #tpu.memory_space<vmem>>)
    %dma_wait3A_137 = arith.constant 640 : i32
    %dma_wait3A_138 = arith.constant 0 : i32
    %dma_wait3A_139 = tpu.memref_slice %arg10[%dma_wait3A_137, %dma_wait3A_138] : memref<1536x64xf32, #tpu.memory_space<vmem>> -> memref<128x64xf32, #tpu.memory_space<vmem>>
    %dma_wait3A_140 = arith.constant 640 : i32
    %dma_wait3A_141 = tpu.memref_slice %arg9[%dma_wait3A_140] : memref<1536xi32, #tpu.memory_space<vmem>> -> memref<128xi32, #tpu.memory_space<vmem>>
    %dma_wait3A_142 = arith.constant 0 : i32
    %dma_wait3A_143 = arith.constant 0 : i32
    %dma_wait3A_144 = tpu.memref_slice %arg2[%dma_wait3A_142, %dma_wait3A_143] : memref<1024x64xf32, #tpu.memory_space<hbm>> -> memref<1024x64xf32, #tpu.memory_space<hbm>>
    tpu.wait_indirect_dma semaphore(%arg11 : memref<!tpu.dma_semaphore, #tpu.memory_space<semaphore_mem>>) src(%dma_wait3A_144 : memref<1024x64xf32, #tpu.memory_space<hbm>>) dst(%dma_wait3A_139 : memref<128x64xf32, #tpu.memory_space<vmem>>)
    %dma_wait3A_145 = arith.constant 768 : i32
    %dma_wait3A_146 = arith.constant 0 : i32
    %dma_wait3A_147 = tpu.memref_slice %arg10[%dma_wait3A_145, %dma_wait3A_146] : memref<1536x64xf32, #tpu.memory_space<vmem>> -> memref<128x64xf32, #tpu.memory_space<vmem>>
    %dma_wait3A_148 = arith.constant 768 : i32
    %dma_wait3A_149 = tpu.memref_slice %arg9[%dma_wait3A_148] : memref<1536xi32, #tpu.memory_space<vmem>> -> memref<128xi32, #tpu.memory_space<vmem>>
    %dma_wait3A_150 = arith.constant 0 : i32
    %dma_wait3A_151 = arith.constant 0 : i32
    %dma_wait3A_152 = tpu.memref_slice %arg2[%dma_wait3A_150, %dma_wait3A_151] : memref<1024x64xf32, #tpu.memory_space<hbm>> -> memref<1024x64xf32, #tpu.memory_space<hbm>>
    tpu.wait_indirect_dma semaphore(%arg11 : memref<!tpu.dma_semaphore, #tpu.memory_space<semaphore_mem>>) src(%dma_wait3A_152 : memref<1024x64xf32, #tpu.memory_space<hbm>>) dst(%dma_wait3A_147 : memref<128x64xf32, #tpu.memory_space<vmem>>)
    %dma_wait3A_153 = arith.constant 896 : i32
    %dma_wait3A_154 = arith.constant 0 : i32
    %dma_wait3A_155 = tpu.memref_slice %arg10[%dma_wait3A_153, %dma_wait3A_154] : memref<1536x64xf32, #tpu.memory_space<vmem>> -> memref<128x64xf32, #tpu.memory_space<vmem>>
    %dma_wait3A_156 = arith.constant 896 : i32
    %dma_wait3A_157 = tpu.memref_slice %arg9[%dma_wait3A_156] : memref<1536xi32, #tpu.memory_space<vmem>> -> memref<128xi32, #tpu.memory_space<vmem>>
    %dma_wait3A_158 = arith.constant 0 : i32
    %dma_wait3A_159 = arith.constant 0 : i32
    %dma_wait3A_160 = tpu.memref_slice %arg2[%dma_wait3A_158, %dma_wait3A_159] : memref<1024x64xf32, #tpu.memory_space<hbm>> -> memref<1024x64xf32, #tpu.memory_space<hbm>>
    tpu.wait_indirect_dma semaphore(%arg11 : memref<!tpu.dma_semaphore, #tpu.memory_space<semaphore_mem>>) src(%dma_wait3A_160 : memref<1024x64xf32, #tpu.memory_space<hbm>>) dst(%dma_wait3A_155 : memref<128x64xf32, #tpu.memory_space<vmem>>)
    %dma_wait3A_161 = arith.constant 1024 : i32
    %dma_wait3A_162 = arith.constant 0 : i32
    %dma_wait3A_163 = tpu.memref_slice %arg10[%dma_wait3A_161, %dma_wait3A_162] : memref<1536x64xf32, #tpu.memory_space<vmem>> -> memref<128x64xf32, #tpu.memory_space<vmem>>
    %dma_wait3A_164 = arith.constant 1024 : i32
    %dma_wait3A_165 = tpu.memref_slice %arg9[%dma_wait3A_164] : memref<1536xi32, #tpu.memory_space<vmem>> -> memref<128xi32, #tpu.memory_space<vmem>>
    %dma_wait3A_166 = arith.constant 0 : i32
    %dma_wait3A_167 = arith.constant 0 : i32
    %dma_wait3A_168 = tpu.memref_slice %arg2[%dma_wait3A_166, %dma_wait3A_167] : memref<1024x64xf32, #tpu.memory_space<hbm>> -> memref<1024x64xf32, #tpu.memory_space<hbm>>
    tpu.wait_indirect_dma semaphore(%arg11 : memref<!tpu.dma_semaphore, #tpu.memory_space<semaphore_mem>>) src(%dma_wait3A_168 : memref<1024x64xf32, #tpu.memory_space<hbm>>) dst(%dma_wait3A_163 : memref<128x64xf32, #tpu.memory_space<vmem>>)
    %dma_wait3A_169 = arith.constant 1152 : i32
    %dma_wait3A_170 = arith.constant 0 : i32
    %dma_wait3A_171 = tpu.memref_slice %arg10[%dma_wait3A_169, %dma_wait3A_170] : memref<1536x64xf32, #tpu.memory_space<vmem>> -> memref<128x64xf32, #tpu.memory_space<vmem>>
    %dma_wait3A_172 = arith.constant 1152 : i32
    %dma_wait3A_173 = tpu.memref_slice %arg9[%dma_wait3A_172] : memref<1536xi32, #tpu.memory_space<vmem>> -> memref<128xi32, #tpu.memory_space<vmem>>
    %dma_wait3A_174 = arith.constant 0 : i32
    %dma_wait3A_175 = arith.constant 0 : i32
    %dma_wait3A_176 = tpu.memref_slice %arg2[%dma_wait3A_174, %dma_wait3A_175] : memref<1024x64xf32, #tpu.memory_space<hbm>> -> memref<1024x64xf32, #tpu.memory_space<hbm>>
    tpu.wait_indirect_dma semaphore(%arg11 : memref<!tpu.dma_semaphore, #tpu.memory_space<semaphore_mem>>) src(%dma_wait3A_176 : memref<1024x64xf32, #tpu.memory_space<hbm>>) dst(%dma_wait3A_171 : memref<128x64xf32, #tpu.memory_space<vmem>>)
    %dma_wait3A_177 = arith.constant 1280 : i32
    %dma_wait3A_178 = arith.constant 0 : i32
    %dma_wait3A_179 = tpu.memref_slice %arg10[%dma_wait3A_177, %dma_wait3A_178] : memref<1536x64xf32, #tpu.memory_space<vmem>> -> memref<128x64xf32, #tpu.memory_space<vmem>>
    %dma_wait3A_180 = arith.constant 1280 : i32
    %dma_wait3A_181 = tpu.memref_slice %arg9[%dma_wait3A_180] : memref<1536xi32, #tpu.memory_space<vmem>> -> memref<128xi32, #tpu.memory_space<vmem>>
    %dma_wait3A_182 = arith.constant 0 : i32
    %dma_wait3A_183 = arith.constant 0 : i32
    %dma_wait3A_184 = tpu.memref_slice %arg2[%dma_wait3A_182, %dma_wait3A_183] : memref<1024x64xf32, #tpu.memory_space<hbm>> -> memref<1024x64xf32, #tpu.memory_space<hbm>>
    tpu.wait_indirect_dma semaphore(%arg11 : memref<!tpu.dma_semaphore, #tpu.memory_space<semaphore_mem>>) src(%dma_wait3A_184 : memref<1024x64xf32, #tpu.memory_space<hbm>>) dst(%dma_wait3A_179 : memref<128x64xf32, #tpu.memory_space<vmem>>)
    %dma_wait3A_185 = arith.constant 1408 : i32
    %dma_wait3A_186 = arith.constant 0 : i32
    %dma_wait3A_187 = tpu.memref_slice %arg10[%dma_wait3A_185, %dma_wait3A_186] : memref<1536x64xf32, #tpu.memory_space<vmem>> -> memref<128x64xf32, #tpu.memory_space<vmem>>
    %dma_wait3A_188 = arith.constant 1408 : i32
    %dma_wait3A_189 = tpu.memref_slice %arg9[%dma_wait3A_188] : memref<1536xi32, #tpu.memory_space<vmem>> -> memref<128xi32, #tpu.memory_space<vmem>>
    %dma_wait3A_190 = arith.constant 0 : i32
    %dma_wait3A_191 = arith.constant 0 : i32
    %dma_wait3A_192 = tpu.memref_slice %arg2[%dma_wait3A_190, %dma_wait3A_191] : memref<1024x64xf32, #tpu.memory_space<hbm>> -> memref<1024x64xf32, #tpu.memory_space<hbm>>
    tpu.wait_indirect_dma semaphore(%arg11 : memref<!tpu.dma_semaphore, #tpu.memory_space<semaphore_mem>>) src(%dma_wait3A_192 : memref<1024x64xf32, #tpu.memory_space<hbm>>) dst(%dma_wait3A_187 : memref<128x64xf32, #tpu.memory_space<vmem>>)
    "tpu.region"() ({
      %run_scoped3A = tpu.sem_alloc : memref<!tpu.dma_semaphore, #tpu.memory_space<semaphore_mem>>
      %dma_start3A_193 = arith.constant 0 : i32
      %dma_start3A_194 = arith.constant 0 : i32
      %dma_start3A_195 = tpu.memref_slice %arg10[%dma_start3A_193, %dma_start3A_194] : memref<1536x64xf32, #tpu.memory_space<vmem>> -> memref<512x64xf32, #tpu.memory_space<vmem>>
      %dma_start3A_196 = arith.constant 0 : i32
      %dma_start3A_197 = tpu.memref_slice %arg6[%mul3A_2, %dma_start3A_196] : memref<16384x64xf32, #tpu.memory_space<hbm>> -> memref<512x64xf32, #tpu.memory_space<hbm>>
      %dma_start3A_198 = arith.constant 0 : i32
      %dma_start3A_199 = tpu.memref_slice %arg6[%mul3A_2, %dma_start3A_198] : memref<16384x64xf32, #tpu.memory_space<hbm>> -> memref<512x64xf32, #tpu.memory_space<hbm>>
      %dma_start3A_200 = arith.constant 0 : i32
      %dma_start3A_201 = arith.constant 0 : i32
      %dma_start3A_202 = tpu.memref_slice %arg10[%dma_start3A_200, %dma_start3A_201] : memref<1536x64xf32, #tpu.memory_space<vmem>> -> memref<512x64xf32, #tpu.memory_space<vmem>>
      tpu.enqueue_dma source(%dma_start3A_202 : memref<512x64xf32, #tpu.memory_space<vmem>>) target(%dma_start3A_199 : memref<512x64xf32, #tpu.memory_space<hbm>>) target_semaphore(%run_scoped3A : memref<!tpu.dma_semaphore, #tpu.memory_space<semaphore_mem>>)
      %dma_wait3A_203 = arith.constant 0 : i32
      %dma_wait3A_204 = arith.constant 0 : i32
      %dma_wait3A_205 = tpu.memref_slice %arg10[%dma_wait3A_203, %dma_wait3A_204] : memref<1536x64xf32, #tpu.memory_space<vmem>> -> memref<512x64xf32, #tpu.memory_space<vmem>>
      %dma_wait3A_206 = arith.constant 0 : i32
      %dma_wait3A_207 = tpu.memref_slice %arg6[%mul3A_2, %dma_wait3A_206] : memref<16384x64xf32, #tpu.memory_space<hbm>> -> memref<512x64xf32, #tpu.memory_space<hbm>>
      %dma_wait3A_208 = arith.constant 0 : i32
      %dma_wait3A_209 = tpu.memref_slice %arg6[%mul3A_2, %dma_wait3A_208] : memref<16384x64xf32, #tpu.memory_space<hbm>> -> memref<512x64xf32, #tpu.memory_space<hbm>>
      %dma_wait3A_210 = arith.constant 0 : i32
      %dma_wait3A_211 = arith.constant 0 : i32
      %dma_wait3A_212 = tpu.memref_slice %arg10[%dma_wait3A_210, %dma_wait3A_211] : memref<1536x64xf32, #tpu.memory_space<vmem>> -> memref<512x64xf32, #tpu.memory_space<vmem>>
      tpu.wait_dma2 semaphore(%run_scoped3A : memref<!tpu.dma_semaphore, #tpu.memory_space<semaphore_mem>>) src(%dma_wait3A_212 : memref<512x64xf32, #tpu.memory_space<vmem>>) dst(%dma_wait3A_209 : memref<512x64xf32, #tpu.memory_space<hbm>>)
      tpu.yield
    }) : () -> ()
    "tpu.region"() ({
      %run_scoped3A = tpu.sem_alloc : memref<!tpu.dma_semaphore, #tpu.memory_space<semaphore_mem>>
      %dma_start3A_193 = arith.constant 512 : i32
      %dma_start3A_194 = arith.constant 0 : i32
      %dma_start3A_195 = tpu.memref_slice %arg10[%dma_start3A_193, %dma_start3A_194] : memref<1536x64xf32, #tpu.memory_space<vmem>> -> memref<512x64xf32, #tpu.memory_space<vmem>>
      %dma_start3A_196 = arith.constant 0 : i32
      %dma_start3A_197 = tpu.memref_slice %arg7[%mul3A_2, %dma_start3A_196] : memref<16384x64xf32, #tpu.memory_space<hbm>> -> memref<512x64xf32, #tpu.memory_space<hbm>>
      %dma_start3A_198 = arith.constant 0 : i32
      %dma_start3A_199 = tpu.memref_slice %arg7[%mul3A_2, %dma_start3A_198] : memref<16384x64xf32, #tpu.memory_space<hbm>> -> memref<512x64xf32, #tpu.memory_space<hbm>>
      %dma_start3A_200 = arith.constant 512 : i32
      %dma_start3A_201 = arith.constant 0 : i32
      %dma_start3A_202 = tpu.memref_slice %arg10[%dma_start3A_200, %dma_start3A_201] : memref<1536x64xf32, #tpu.memory_space<vmem>> -> memref<512x64xf32, #tpu.memory_space<vmem>>
      tpu.enqueue_dma source(%dma_start3A_202 : memref<512x64xf32, #tpu.memory_space<vmem>>) target(%dma_start3A_199 : memref<512x64xf32, #tpu.memory_space<hbm>>) target_semaphore(%run_scoped3A : memref<!tpu.dma_semaphore, #tpu.memory_space<semaphore_mem>>)
      %dma_wait3A_203 = arith.constant 512 : i32
      %dma_wait3A_204 = arith.constant 0 : i32
      %dma_wait3A_205 = tpu.memref_slice %arg10[%dma_wait3A_203, %dma_wait3A_204] : memref<1536x64xf32, #tpu.memory_space<vmem>> -> memref<512x64xf32, #tpu.memory_space<vmem>>
      %dma_wait3A_206 = arith.constant 0 : i32
      %dma_wait3A_207 = tpu.memref_slice %arg7[%mul3A_2, %dma_wait3A_206] : memref<16384x64xf32, #tpu.memory_space<hbm>> -> memref<512x64xf32, #tpu.memory_space<hbm>>
      %dma_wait3A_208 = arith.constant 0 : i32
      %dma_wait3A_209 = tpu.memref_slice %arg7[%mul3A_2, %dma_wait3A_208] : memref<16384x64xf32, #tpu.memory_space<hbm>> -> memref<512x64xf32, #tpu.memory_space<hbm>>
      %dma_wait3A_210 = arith.constant 512 : i32
      %dma_wait3A_211 = arith.constant 0 : i32
      %dma_wait3A_212 = tpu.memref_slice %arg10[%dma_wait3A_210, %dma_wait3A_211] : memref<1536x64xf32, #tpu.memory_space<vmem>> -> memref<512x64xf32, #tpu.memory_space<vmem>>
      tpu.wait_dma2 semaphore(%run_scoped3A : memref<!tpu.dma_semaphore, #tpu.memory_space<semaphore_mem>>) src(%dma_wait3A_212 : memref<512x64xf32, #tpu.memory_space<vmem>>) dst(%dma_wait3A_209 : memref<512x64xf32, #tpu.memory_space<hbm>>)
      tpu.yield
    }) : () -> ()
    "tpu.region"() ({
      %run_scoped3A = tpu.sem_alloc : memref<!tpu.dma_semaphore, #tpu.memory_space<semaphore_mem>>
      %dma_start3A_193 = arith.constant 1024 : i32
      %dma_start3A_194 = arith.constant 0 : i32
      %dma_start3A_195 = tpu.memref_slice %arg10[%dma_start3A_193, %dma_start3A_194] : memref<1536x64xf32, #tpu.memory_space<vmem>> -> memref<512x64xf32, #tpu.memory_space<vmem>>
      %dma_start3A_196 = arith.constant 0 : i32
      %dma_start3A_197 = tpu.memref_slice %arg8[%mul3A_2, %dma_start3A_196] : memref<16384x64xf32, #tpu.memory_space<hbm>> -> memref<512x64xf32, #tpu.memory_space<hbm>>
      %dma_start3A_198 = arith.constant 0 : i32
      %dma_start3A_199 = tpu.memref_slice %arg8[%mul3A_2, %dma_start3A_198] : memref<16384x64xf32, #tpu.memory_space<hbm>> -> memref<512x64xf32, #tpu.memory_space<hbm>>
      %dma_start3A_200 = arith.constant 1024 : i32
      %dma_start3A_201 = arith.constant 0 : i32
      %dma_start3A_202 = tpu.memref_slice %arg10[%dma_start3A_200, %dma_start3A_201] : memref<1536x64xf32, #tpu.memory_space<vmem>> -> memref<512x64xf32, #tpu.memory_space<vmem>>
      tpu.enqueue_dma source(%dma_start3A_202 : memref<512x64xf32, #tpu.memory_space<vmem>>) target(%dma_start3A_199 : memref<512x64xf32, #tpu.memory_space<hbm>>) target_semaphore(%run_scoped3A : memref<!tpu.dma_semaphore, #tpu.memory_space<semaphore_mem>>)
      %dma_wait3A_203 = arith.constant 1024 : i32
      %dma_wait3A_204 = arith.constant 0 : i32
      %dma_wait3A_205 = tpu.memref_slice %arg10[%dma_wait3A_203, %dma_wait3A_204] : memref<1536x64xf32, #tpu.memory_space<vmem>> -> memref<512x64xf32, #tpu.memory_space<vmem>>
      %dma_wait3A_206 = arith.constant 0 : i32
      %dma_wait3A_207 = tpu.memref_slice %arg8[%mul3A_2, %dma_wait3A_206] : memref<16384x64xf32, #tpu.memory_space<hbm>> -> memref<512x64xf32, #tpu.memory_space<hbm>>
      %dma_wait3A_208 = arith.constant 0 : i32
      %dma_wait3A_209 = tpu.memref_slice %arg8[%mul3A_2, %dma_wait3A_208] : memref<16384x64xf32, #tpu.memory_space<hbm>> -> memref<512x64xf32, #tpu.memory_space<hbm>>
      %dma_wait3A_210 = arith.constant 1024 : i32
      %dma_wait3A_211 = arith.constant 0 : i32
      %dma_wait3A_212 = tpu.memref_slice %arg10[%dma_wait3A_210, %dma_wait3A_211] : memref<1536x64xf32, #tpu.memory_space<vmem>> -> memref<512x64xf32, #tpu.memory_space<vmem>>
      tpu.wait_dma2 semaphore(%run_scoped3A : memref<!tpu.dma_semaphore, #tpu.memory_space<semaphore_mem>>) src(%dma_wait3A_212 : memref<512x64xf32, #tpu.memory_space<vmem>>) dst(%dma_wait3A_209 : memref<512x64xf32, #tpu.memory_space<hbm>>)
      tpu.yield
    }) : () -> ()
    return
  }
}

module attributes {stable_mosaic.version = 14 : i64} {
  func.func @_tc_body(%arg0: i32, %arg1: memref<2048x64xf32, #tpu.memory_space<vmem>>, %arg2: memref<1024x64xf32, #tpu.memory_space<vmem>>, %arg3: memref<2048x1024xf32, #tpu.memory_space<vmem>>, %arg4: memref<2048x1xi32, #tpu.memory_space<vmem>>, %arg5: memref<2048x1xi32, #tpu.memory_space<vmem>>, %arg6: memref<2048x1xi32, #tpu.memory_space<vmem>>, %arg7: memref<1x1xf32, #tpu.memory_space<vmem>>, %arg8: memref<1x1xf32, #tpu.memory_space<vmem>>, %arg9: memref<1x1024xf32, #tpu.memory_space<vmem>>, %arg10: memref<1x1xf32, #tpu.memory_space<vmem>>) attributes {dimension_semantics = [#tpu.dimension_semantics<arbitrary>], iteration_bounds = array<i64: 8>, scalar_prefetch = 0 : i64, scratch_operands = 2 : i64, tpu.core_type = #tpu.core_type<tc>, window_params = [{transform_indices = @transform_0, window_bounds = array<i64: 2048, 64>}, {pipeline_mode = #tpu.pipeline_mode<synchronous>, transform_indices = @transform_1, window_bounds = array<i64: 1024, 64>}, {transform_indices = @transform_2, window_bounds = array<i64: 2048, 1024>}, {transform_indices = @transform_3, window_bounds = array<i64: 2048, 1>}, {transform_indices = @transform_4, window_bounds = array<i64: 2048, 1>}, {transform_indices = @transform_5, window_bounds = array<i64: 2048, 1>}, {pipeline_mode = #tpu.pipeline_mode<synchronous>, transform_indices = @transform_6, window_bounds = array<i64: 1, 1>}, {pipeline_mode = #tpu.pipeline_mode<synchronous>, transform_indices = @transform_7, window_bounds = array<i64: 1, 1>}]} {
    %get3A = arith.constant 0 : index
    %get3A_0 = arith.constant 0 : index
    %get3A_1 = vector.load %arg1[%get3A, %get3A_0] : memref<2048x64xf32, #tpu.memory_space<vmem>>, vector<2048x64xf32>
    %get3A_2 = arith.constant 0 : index
    %get3A_3 = arith.constant 0 : index
    %get3A_4 = vector.load %arg2[%get3A_2, %get3A_3] : memref<1024x64xf32, #tpu.memory_space<vmem>>, vector<1024x64xf32>
    %mul3A = arith.mulf %get3A_1, %get3A_1 : vector<2048x64xf32>
    %reduce_sum3A = arith.constant dense<0.000000e+00> : vector<2048xf32>
    %reduce_sum3A_5 = vector.multi_reduction <add>, %mul3A, %reduce_sum3A [1] : vector<2048x64xf32> to vector<2048xf32>
    %broadcast_in_dim3A = vector.shape_cast %reduce_sum3A_5 : vector<2048xf32> to vector<2048x1xf32>
    %mul3A_6 = arith.mulf %get3A_4, %get3A_4 : vector<1024x64xf32>
    %reduce_sum3A_7 = arith.constant dense<0.000000e+00> : vector<1024xf32>
    %reduce_sum3A_8 = vector.multi_reduction <add>, %mul3A_6, %reduce_sum3A_7 [1] : vector<1024x64xf32> to vector<1024xf32>
    %broadcast_in_dim3A_9 = vector.shape_cast %reduce_sum3A_8 : vector<1024xf32> to vector<1x1024xf32>
    %dot_general3A = arith.constant dense<0.000000e+00> : vector<2048x1024xf32>
    %dot_general3A_10 = tpu.matmul %get3A_1, %get3A_4, %dot_general3A {dimension_numbers = #tpu.dot_dimension_numbers<[1], [1], [0], [0], [0, 0, 1, 0], [], []>, transpose_lhs_hint = false} : vector<2048x64xf32>, vector<1024x64xf32>, vector<2048x1024xf32> -> vector<2048x1024xf32>
    %add3A = vector.broadcast %broadcast_in_dim3A : vector<2048x1xf32> to vector<2048x1024xf32>
    %add3A_11 = vector.broadcast %broadcast_in_dim3A_9 : vector<1x1024xf32> to vector<2048x1024xf32>
    %add3A_12 = arith.addf %add3A, %add3A_11 : vector<2048x1024xf32>
    %mul3A_13 = arith.constant 2.000000e+00 : f32
    %mul3A_14 = vector.broadcast %mul3A_13 : f32 to vector<2048x1024xf32>
    %mul3A_15 = arith.mulf %mul3A_14, %dot_general3A_10 : vector<2048x1024xf32>
    %sub3A = arith.subf %add3A_12, %mul3A_15 : vector<2048x1024xf32>
    %iota3A = tpu.iota {dimensions = array<i32: 1>} : vector<2048x1024xi32>
    %reduce_min3A = arith.constant dense<0x7F800000> : vector<2048xf32>
    %reduce_min3A_16 = vector.multi_reduction <minimumf>, %sub3A, %reduce_min3A [1] : vector<2048x1024xf32> to vector<2048xf32>
    %broadcast_in_dim3A_17 = vector.shape_cast %reduce_min3A_16 : vector<2048xf32> to vector<2048x1xf32>
    %eq3A = vector.broadcast %broadcast_in_dim3A_17 : vector<2048x1xf32> to vector<2048x1024xf32>
    %eq3A_18 = arith.cmpf oeq, %sub3A, %eq3A : vector<2048x1024xf32>
    %jit3A = arith.constant 1024 : i32
    %broadcast_in_dim3A_19 = vector.broadcast %jit3A : i32 to vector<2048x1024xi32>
    %select_n3A = arith.select %eq3A_18, %iota3A, %broadcast_in_dim3A_19 : vector<2048x1024xi1>, vector<2048x1024xi32>
    %reduce_min3A_20 = arith.constant dense<2147483647> : vector<2048xi32>
    %reduce_min3A_21 = vector.multi_reduction <minsi>, %select_n3A, %reduce_min3A_20 [1] : vector<2048x1024xi32> to vector<2048xi32>
    %broadcast_in_dim3A_22 = vector.shape_cast %reduce_min3A_21 : vector<2048xi32> to vector<2048x1xi32>
    %swap3A = arith.constant 0 : index
    %swap3A_23 = arith.constant 0 : index
    %swap3A_24 = vector.load %arg4[%swap3A, %swap3A_23] : memref<2048x1xi32, #tpu.memory_space<vmem>>, vector<2048x1xi32>
    tpu.vector_store %arg4[%swap3A, %swap3A_23], %broadcast_in_dim3A_22 {strides = array<i32>} : memref<2048x1xi32, #tpu.memory_space<vmem>>, vector<2048x1xi32>,
    %reduce_sum3A_25 = vector.shape_cast %broadcast_in_dim3A_17 : vector<2048x1xf32> to vector<1x2048x1xf32>
    %reduce_sum3A_26 = arith.constant dense<0.000000e+00> : vector<1xf32>
    %reduce_sum3A_27 = vector.multi_reduction <add>, %reduce_sum3A_25, %reduce_sum3A_26 [1, 2] : vector<1x2048x1xf32> to vector<1xf32>
    %reduce_sum3A_28 = vector.shape_cast %reduce_sum3A_27 : vector<1xf32> to vector<1x1x1xf32>
    %reduce_sum3A_29 = vector.extract %reduce_sum3A_28[0, 0, 0] : f32 from vector<1x1x1xf32>
    %broadcast_in_dim3A_30 = vector.broadcast %reduce_sum3A_29 : f32 to vector<1x1xf32>
    %eq3A_31 = vector.broadcast %broadcast_in_dim3A_22 : vector<2048x1xi32> to vector<2048x1024xi32>
    %eq3A_32 = arith.cmpi eq, %iota3A, %eq3A_31 : vector<2048x1024xi32>
    %jit3A_33 = arith.constant 0x7F800000 : f32
    %broadcast_in_dim3A_34 = vector.broadcast %jit3A_33 : f32 to vector<2048x1024xf32>
    %select_n3A_35 = arith.select %eq3A_32, %broadcast_in_dim3A_34, %sub3A : vector<2048x1024xi1>, vector<2048x1024xf32>
    %reduce_min3A_36 = arith.constant dense<0x7F800000> : vector<2048xf32>
    %reduce_min3A_37 = vector.multi_reduction <minimumf>, %select_n3A_35, %reduce_min3A_36 [1] : vector<2048x1024xf32> to vector<2048xf32>
    %broadcast_in_dim3A_38 = vector.shape_cast %reduce_min3A_37 : vector<2048xf32> to vector<2048x1xf32>
    %eq3A_39 = vector.broadcast %broadcast_in_dim3A_38 : vector<2048x1xf32> to vector<2048x1024xf32>
    %eq3A_40 = arith.cmpf oeq, %select_n3A_35, %eq3A_39 : vector<2048x1024xf32>
    %jit3A_41 = arith.constant 1024 : i32
    %broadcast_in_dim3A_42 = vector.broadcast %jit3A_41 : i32 to vector<2048x1024xi32>
    %select_n3A_43 = arith.select %eq3A_40, %iota3A, %broadcast_in_dim3A_42 : vector<2048x1024xi1>, vector<2048x1024xi32>
    %reduce_min3A_44 = arith.constant dense<2147483647> : vector<2048xi32>
    %reduce_min3A_45 = vector.multi_reduction <minsi>, %select_n3A_43, %reduce_min3A_44 [1] : vector<2048x1024xi32> to vector<2048xi32>
    %broadcast_in_dim3A_46 = vector.shape_cast %reduce_min3A_45 : vector<2048xi32> to vector<2048x1xi32>
    %swap3A_47 = arith.constant 0 : index
    %swap3A_48 = arith.constant 0 : index
    %swap3A_49 = vector.load %arg5[%swap3A_47, %swap3A_48] : memref<2048x1xi32, #tpu.memory_space<vmem>>, vector<2048x1xi32>
    tpu.vector_store %arg5[%swap3A_47, %swap3A_48], %broadcast_in_dim3A_46 {strides = array<i32>} : memref<2048x1xi32, #tpu.memory_space<vmem>>, vector<2048x1xi32>,
    %eq3A_50 = vector.broadcast %broadcast_in_dim3A_46 : vector<2048x1xi32> to vector<2048x1024xi32>
    %eq3A_51 = arith.cmpi eq, %iota3A, %eq3A_50 : vector<2048x1024xi32>
    %jit3A_52 = arith.constant 0x7F800000 : f32
    %broadcast_in_dim3A_53 = vector.broadcast %jit3A_52 : f32 to vector<2048x1024xf32>
    %select_n3A_54 = arith.select %eq3A_51, %broadcast_in_dim3A_53, %select_n3A_35 : vector<2048x1024xi1>, vector<2048x1024xf32>
    %reduce_min3A_55 = arith.constant dense<0x7F800000> : vector<2048xf32>
    %reduce_min3A_56 = vector.multi_reduction <minimumf>, %select_n3A_54, %reduce_min3A_55 [1] : vector<2048x1024xf32> to vector<2048xf32>
    %broadcast_in_dim3A_57 = vector.shape_cast %reduce_min3A_56 : vector<2048xf32> to vector<2048x1xf32>
    %eq3A_58 = vector.broadcast %broadcast_in_dim3A_57 : vector<2048x1xf32> to vector<2048x1024xf32>
    %eq3A_59 = arith.cmpf oeq, %select_n3A_54, %eq3A_58 : vector<2048x1024xf32>
    %jit3A_60 = arith.constant 1024 : i32
    %broadcast_in_dim3A_61 = vector.broadcast %jit3A_60 : i32 to vector<2048x1024xi32>
    %select_n3A_62 = arith.select %eq3A_59, %iota3A, %broadcast_in_dim3A_61 : vector<2048x1024xi1>, vector<2048x1024xi32>
    %reduce_min3A_63 = arith.constant dense<2147483647> : vector<2048xi32>
    %reduce_min3A_64 = vector.multi_reduction <minsi>, %select_n3A_62, %reduce_min3A_63 [1] : vector<2048x1024xi32> to vector<2048xi32>
    %broadcast_in_dim3A_65 = vector.shape_cast %reduce_min3A_64 : vector<2048xi32> to vector<2048x1xi32>
    %swap3A_66 = arith.constant 0 : index
    %swap3A_67 = arith.constant 0 : index
    %swap3A_68 = vector.load %arg6[%swap3A_66, %swap3A_67] : memref<2048x1xi32, #tpu.memory_space<vmem>>, vector<2048x1xi32>
    tpu.vector_store %arg6[%swap3A_66, %swap3A_67], %broadcast_in_dim3A_65 {strides = array<i32>} : memref<2048x1xi32, #tpu.memory_space<vmem>>, vector<2048x1xi32>,
    %eq3A_69 = vector.broadcast %broadcast_in_dim3A_65 : vector<2048x1xi32> to vector<2048x1024xi32>
    %eq3A_70 = arith.cmpi eq, %iota3A, %eq3A_69 : vector<2048x1024xi32>
    %convert_element_type3A = arith.extui %eq3A_70 : vector<2048x1024xi1> to vector<2048x1024xi32>
    %convert_element_type3A_71 = arith.sitofp %convert_element_type3A : vector<2048x1024xi32> to vector<2048x1024xf32>
    %swap3A_72 = arith.constant 0 : index
    %swap3A_73 = arith.constant 0 : index
    %swap3A_74 = vector.load %arg3[%swap3A_72, %swap3A_73] : memref<2048x1024xf32, #tpu.memory_space<vmem>>, vector<2048x1024xf32>
    tpu.vector_store %arg3[%swap3A_72, %swap3A_73], %convert_element_type3A_71 {strides = array<i32>} : memref<2048x1024xf32, #tpu.memory_space<vmem>>, vector<2048x1024xf32>,
    %eq3A_75 = arith.constant 0 : i32
    %eq3A_76 = arith.cmpi eq, %arg0, %eq3A_75 : i32
    %convert_element_type3A_77 = arith.extui %eq3A_76 : i1 to i32
    %cond3A = arith.constant 0 : i32
    %cond3A_78 = arith.cmpi ne, %convert_element_type3A_77, %cond3A : i32
    scf.if %cond3A_78 {
      %broadcast_in_dim3A_101 = arith.constant 0.000000e+00 : f32
      %broadcast_in_dim3A_102 = vector.broadcast %broadcast_in_dim3A_101 : f32 to vector<1x1xf32>
      %swap3A_103 = arith.constant 0 : index
      %swap3A_104 = arith.constant 0 : index
      %swap3A_105 = vector.load %arg10[%swap3A_103, %swap3A_104] : memref<1x1xf32, #tpu.memory_space<vmem>>, vector<1x1xf32>
      tpu.vector_store %arg10[%swap3A_103, %swap3A_104], %broadcast_in_dim3A_102 {strides = array<i32>} : memref<1x1xf32, #tpu.memory_space<vmem>>, vector<1x1xf32>,
      %broadcast_in_dim3A_106 = arith.constant 0.000000e+00 : f32
      %broadcast_in_dim3A_107 = vector.broadcast %broadcast_in_dim3A_106 : f32 to vector<1x1024xf32>
      %swap3A_108 = arith.constant 0 : index
      %swap3A_109 = arith.constant 0 : index
      %swap3A_110 = vector.load %arg9[%swap3A_108, %swap3A_109] : memref<1x1024xf32, #tpu.memory_space<vmem>>, vector<1x1024xf32>
      tpu.vector_store %arg9[%swap3A_108, %swap3A_109], %broadcast_in_dim3A_107 {strides = array<i32>} : memref<1x1024xf32, #tpu.memory_space<vmem>>, vector<1x1024xf32>,
    } else {
    }
    %get3A_79 = arith.constant 0 : index
    %get3A_80 = arith.constant 0 : index
    %get3A_81 = vector.load %arg10[%get3A_79, %get3A_80] : memref<1x1xf32, #tpu.memory_space<vmem>>, vector<1x1xf32>
    %add3A_82 = arith.addf %get3A_81, %broadcast_in_dim3A_30 : vector<1x1xf32>
    %swap3A_83 = arith.constant 0 : index
    %swap3A_84 = arith.constant 0 : index
    %swap3A_85 = vector.load %arg10[%swap3A_83, %swap3A_84] : memref<1x1xf32, #tpu.memory_space<vmem>>, vector<1x1xf32>
    tpu.vector_store %arg10[%swap3A_83, %swap3A_84], %add3A_82 {strides = array<i32>} : memref<1x1xf32, #tpu.memory_space<vmem>>, vector<1x1xf32>,
    %get3A_86 = arith.constant 0 : index
    %get3A_87 = arith.constant 0 : index
    %get3A_88 = vector.load %arg9[%get3A_86, %get3A_87] : memref<1x1024xf32, #tpu.memory_space<vmem>>, vector<1x1024xf32>
    %reduce_sum3A_89 = arith.constant dense<0.000000e+00> : vector<1024xf32>
    %reduce_sum3A_90 = vector.multi_reduction <add>, %convert_element_type3A_71, %reduce_sum3A_89 [0] : vector<2048x1024xf32> to vector<1024xf32>
    %broadcast_in_dim3A_91 = vector.shape_cast %reduce_sum3A_90 : vector<1024xf32> to vector<1x1024xf32>
    %add3A_92 = arith.addf %get3A_88, %broadcast_in_dim3A_91 : vector<1x1024xf32>
    %swap3A_93 = arith.constant 0 : index
    %swap3A_94 = arith.constant 0 : index
    %swap3A_95 = vector.load %arg9[%swap3A_93, %swap3A_94] : memref<1x1024xf32, #tpu.memory_space<vmem>>, vector<1x1024xf32>
    tpu.vector_store %arg9[%swap3A_93, %swap3A_94], %add3A_92 {strides = array<i32>} : memref<1x1024xf32, #tpu.memory_space<vmem>>, vector<1x1024xf32>,
    %eq3A_96 = arith.constant 7 : i32
    %eq3A_97 = arith.cmpi eq, %arg0, %eq3A_96 : i32
    %convert_element_type3A_98 = arith.extui %eq3A_97 : i1 to i32
    %cond3A_99 = arith.constant 0 : i32
    %cond3A_100 = arith.cmpi ne, %convert_element_type3A_98, %cond3A_99 : i32
    scf.if %cond3A_100 {
      %get3A_101 = arith.constant 0 : index
      %get3A_102 = arith.constant 0 : index
      %get3A_103 = vector.load %arg10[%get3A_101, %get3A_102] : memref<1x1xf32, #tpu.memory_space<vmem>>, vector<1x1xf32>
      %mul3A_104 = arith.constant 2.38418579E-7 : f32
      %mul3A_105 = vector.broadcast %mul3A_104 : f32 to vector<1x1xf32>
      %mul3A_106 = arith.mulf %get3A_103, %mul3A_105 : vector<1x1xf32>
      %swap3A_107 = arith.constant 0 : index
      %swap3A_108 = arith.constant 0 : index
      %swap3A_109 = vector.load %arg7[%swap3A_107, %swap3A_108] : memref<1x1xf32, #tpu.memory_space<vmem>>, vector<1x1xf32>
      tpu.vector_store %arg7[%swap3A_107, %swap3A_108], %mul3A_106 {strides = array<i32>} : memref<1x1xf32, #tpu.memory_space<vmem>>, vector<1x1xf32>,
      %get3A_110 = arith.constant 0 : index
      %get3A_111 = arith.constant 0 : index
      %get3A_112 = vector.load %arg9[%get3A_110, %get3A_111] : memref<1x1024xf32, #tpu.memory_space<vmem>>, vector<1x1024xf32>
      %mul3A_113 = arith.constant 6.10351563E-5 : f32
      %mul3A_114 = vector.broadcast %mul3A_113 : f32 to vector<1x1024xf32>
      %mul3A_115 = arith.mulf %get3A_112, %mul3A_114 : vector<1x1024xf32>
      %add3A_116 = arith.constant 1.000000e-10 : f32
      %add3A_117 = vector.broadcast %add3A_116 : f32 to vector<1x1024xf32>
      %add3A_118 = arith.addf %mul3A_115, %add3A_117 : vector<1x1024xf32>
      %log3A = math.log %add3A_118 : vector<1x1024xf32>
      %mul3A_119 = arith.mulf %mul3A_115, %log3A : vector<1x1024xf32>
      %reduce_sum3A_120 = vector.shape_cast %mul3A_119 : vector<1x1024xf32> to vector<1x1x1024xf32>
      %reduce_sum3A_121 = arith.constant dense<0.000000e+00> : vector<1xf32>
      %reduce_sum3A_122 = vector.multi_reduction <add>, %reduce_sum3A_120, %reduce_sum3A_121 [1, 2] : vector<1x1x1024xf32> to vector<1xf32>
      %reduce_sum3A_123 = vector.shape_cast %reduce_sum3A_122 : vector<1xf32> to vector<1x1x1xf32>
      %reduce_sum3A_124 = vector.extract %reduce_sum3A_123[0, 0, 0] : f32 from vector<1x1x1xf32>
      %broadcast_in_dim3A_125 = vector.broadcast %reduce_sum3A_124 : f32 to vector<1x1xf32>
      %neg3A = arith.constant 0.000000e+00 : f32
      %neg3A_126 = vector.broadcast %neg3A : f32 to vector<1x1xf32>
      %neg3A_127 = arith.subf %neg3A_126, %broadcast_in_dim3A_125 : vector<1x1xf32>
      %exp3A = math.exp %neg3A_127 : vector<1x1xf32>
      %swap3A_128 = arith.constant 0 : index
      %swap3A_129 = arith.constant 0 : index
      %swap3A_130 = vector.load %arg8[%swap3A_128, %swap3A_129] : memref<1x1xf32, #tpu.memory_space<vmem>>, vector<1x1xf32>
      tpu.vector_store %arg8[%swap3A_128, %swap3A_129], %exp3A {strides = array<i32>} : memref<1x1xf32, #tpu.memory_space<vmem>>, vector<1x1xf32>,
    } else {
    }
    return
  }
  func.func @transform_0(%arg0: i32) -> (i32, i32) {
    %c0_i32 = arith.constant 0 : i32
    %c0_i32_0 = arith.constant 0 : i32
    return %arg0, %c0_i32 : i32, i32
  }
  func.func @transform_1(%arg0: i32) -> (i32, i32) {
    %c0_i32 = arith.constant 0 : i32
    %c0_i32_0 = arith.constant 0 : i32
    %c0_i32_1 = arith.constant 0 : i32
    return %c0_i32, %c0_i32_0 : i32, i32
  }
  func.func @transform_2(%arg0: i32) -> (i32, i32) {
    %c0_i32 = arith.constant 0 : i32
    %c0_i32_0 = arith.constant 0 : i32
    return %arg0, %c0_i32 : i32, i32
  }
  func.func @transform_3(%arg0: i32) -> (i32, i32) {
    %c0_i32 = arith.constant 0 : i32
    %c0_i32_0 = arith.constant 0 : i32
    return %arg0, %c0_i32 : i32, i32
  }
  func.func @transform_4(%arg0: i32) -> (i32, i32) {
    %c0_i32 = arith.constant 0 : i32
    %c0_i32_0 = arith.constant 0 : i32
    return %arg0, %c0_i32 : i32, i32
  }
  func.func @transform_5(%arg0: i32) -> (i32, i32) {
    %c0_i32 = arith.constant 0 : i32
    %c0_i32_0 = arith.constant 0 : i32
    return %arg0, %c0_i32 : i32, i32
  }
  func.func @transform_6(%arg0: i32) -> (i32, i32) {
    %c0_i32 = arith.constant 0 : i32
    %c0_i32_0 = arith.constant 0 : i32
    %c0_i32_1 = arith.constant 0 : i32
    return %c0_i32, %c0_i32_0 : i32, i32
  }
  func.func @transform_7(%arg0: i32) -> (i32, i32) {
    %c0_i32 = arith.constant 0 : i32
    %c0_i32_0 = arith.constant 0 : i32
    %c0_i32_1 = arith.constant 0 : i32
    return %c0_i32, %c0_i32_0 : i32, i32
  }
}

</mosaic_0001>

<sc_bundles>
// kernel: kernel.4.cloned.1.call-start
scs
__scs_entry_jumppad:
0x0: {  	(pc) =	sbr.rel $0x88, $3  }
0x1: {  	(tag) =	ssettag $0x0;
	lr =	simm.s32 $0x1  }
0x2: {  	[smem:$0x3F9F] =	sst lr;
	_ =	strace $0xD0000000  }
0x3: {  	_ = 	snop  }
0x4: {  	_ = 	snop  }
0x5: {  	_ = 	snop  }
0x6: {  	_ = 	snop  }
0x7: {  	_ = 	snop  }
__scs_overlays_trampoline_lowered:
0x8: {  	[smem:$0x3FAE] =	sst s0  }
0x9: {  	[smem:$0x3FAF] =	sst s1  }
0xa: {  	[smem:$0x3FB0] =	sst s2  }
0xb: {  	[smem:$0x3FB1] =	sst s3  }
0xc: {  	[smem:$0x3FB2] =	sst s4  }
0xd: {  	[smem:$0x3FB3] =	sst s5  }
0xe: {  	[smem:$0x3FB4] =	sst s6  }
0xf: {  	[smem:$0x3FB5] =	sst s7  }
0x10: {  	[smem:$0x3FB6] =	sst s8  }
0x11: {  	[smem:$0x3FB7] =	sst s9;
	s0 =	simm.s32 @!p0 $0x0  }
0x12: {  	s1 =	sld [smem:$0x3F9D];
	s0 =	simm.s32 @p0 $0x1  }
0x13: {  	[smem:$0x3FB8] =	sst s0;
	s0 =	simm.s32 @!p1 $0x0  }
0x14: {  	s2 =	sld [smem:$0x3F9C];
	s0 =	simm.s32 @p1 $0x1  }
0x15: {  	[smem:$0x3FB9] =	sst s0;
	s0 =	simm.s32 @!p2 $0x0  }
0x16: {  	s3 =	sld [smem:$0x3FDB];
	s0 =	simm.s32 @p2 $0x1  }
0x17: {  	s4 =	simm.s32 $0x1BF5;
	[smem:$0x3FBB] =	sst s0  }
0x18: {  	s0 =	sld [smem:$0x3F9E];
	_ =	swait.ge [sflag:s4], $0x0  }
0x19: {  	s7 =	sld [smem:$0x3F9F]  }
0x1a: {  	s8 =	sadd.s32 $0xFFFFE003, lr  }
0x1b: {  	s9 =	sadd.s32 $0xFFFFFEF7, lr;
	s5 =	simm.s32 $0xFFFFFFFF;
	p2 =	slt.u32 s8, $0xFFFFF086  }
0x1c: {  	p1 =	slt.u32 s9, $0xF7A;
	s5 =	simm.s32 @!p2 $0x0  }
0x1d: {  	s5 =	simm.s32 @p1 $0x1;
	p0 =	seq.s32 s7, s2  }
0x1e: {  	s7 =	smul.u32 @!p0 $0xF7A, s2;
	p2 =	seq.s32 @!p0 s5, $0x0  }
0x1f: {  	s9 =	smul.u32 $0xF7A, s1;
	s8 =	simm.s32 @!p0 $0x1BF5;
	p2 =	por !p2, p0  }
0x20: {  	[sflag:s8] =	ssyncset.s32 @!p0 $0xFFFFF086;
	s6 =	sadd.s32 @!p0 s3, s7;
	s7 =	simm.s32 @!p0 $0x108  }
0x21: {  	s3 =	sadd.s32 s3, s9;
	s6 =	sadd.s32 @!p0 $0x88, s6;
	s7 =	simm.s32 @p2 $0x1082  }
0x22: {  	[simem:s7], [sflag:s8] =	dma.local @!p0 [hbm:s6], $0xF7A  }
0x23: {  	s9 =	sor.u32 $0xD0000000, s2;
	s6 =	simm.s32 $0x108;
	_ =	swait.ge @!p0 [sflag:s8], $0x0  }
0x24: {  	s3 =	sadd.s32 $0x88, s3;
	s6 =	simm.s32 @!p1 $0x1082;
	[sflag:s4] =	ssyncset.s32 $0xFFFFF086  }
0x25: {  	[simem:s6], [sflag:s4] =	dma.local [hbm:s3], $0xF7A  }
0x26: {  	[smem:$0x3F9F] =	sst s1;
	(tag) =	ssettag s2;
	_ =	strace s9  }
0x27: {  	s1 =	sld [smem:$0x3FAF]  }
0x28: {  	s2 =	sld [smem:$0x3FB0]  }
0x29: {  	s4 =	sld [smem:$0x3FB2]  }
0x2a: {  	p0 =	seq.s32 s5, $0x0;
	s5 =	sld [smem:$0x3FB3]  }
0x2b: {  	s6 =	sld [smem:$0x3FB4]  }
0x2c: {  	s7 =	sld [smem:$0x3FB5]  }
0x2d: {  	s3 =	simm.s32 $0x108;
	s8 =	sld [smem:$0x3FB6]  }
0x2e: {  	s3 =	simm.s32 @!p0 $0x1082;
	s9 =	sld [smem:$0x3FB7]  }
0x2f: {  	lr =	sadd.s32 s0, s3;
	s0 =	sld [smem:$0x3FAE]  }
0x30: {  	s3 =	sld [smem:$0x3FB1]  }
0x31: {  	[smem:$0x3FBA] =	sst s10  }
0x32: {  	s10 =	sld [smem:$0x3FB8];
	_ =	sdelay $0x3  }
0x33: {  	p0 =	seq.s32 s10, $0x1;
	s10 =	sld [smem:$0x3FBA];
	_ =	sdelay $0x3  }
0x34: {  	[smem:$0x3FBA] =	sst s10  }
0x35: {  	s10 =	sld [smem:$0x3FB9];
	_ =	sdelay $0x3  }
0x36: {  	p1 =	seq.s32 s10, $0x1;
	s10 =	sld [smem:$0x3FBA];
	_ =	sdelay $0x3  }
0x37: {  	[smem:$0x3FBA] =	sst s10  }
0x38: {  	s10 =	sld [smem:$0x3FBB]  }
0x39: {  	_ = 	snop;
	(pc) =	sbr.ind lr, $3  }
0x3a: {  	_ = 	snop  }
0x3b: {  	_ = 	snop  }
0x3c: {  	p2 =	seq.s32 s10, $0x1;
	s10 =	sld [smem:$0x3FBA]  }
0x3d: {  	_ =	shalt  }
0x3e: {  	_ =	shalt  }
0x3f: {  	_ =	shalt  }
0x40: {  	_ =	shalt  }
0x41: {  	_ =	shalt  }
0x42: {  	_ =	shalt  }
0x43: {  	_ =	shalt  }
0x44: {  	_ =	shalt  }
0x45: {  	_ =	shalt  }
0x46: {  	_ =	shalt  }
0x47: {  	_ =	shalt  }
0x48: {  	_ =	shalt  }
0x49: {  	_ =	shalt  }
0x4a: {  	_ =	shalt  }
0x4b: {  	_ =	shalt  }
0x4c: {  	_ =	shalt  }
0x4d: {  	_ =	shalt  }
0x4e: {  	_ =	shalt  }
0x4f: {  	_ =	shalt  }
0x50: {  	_ =	shalt  }
0x51: {  	_ =	shalt  }
0x52: {  	_ =	shalt  }
0x53: {  	_ =	shalt  }
0x54: {  	_ =	shalt  }
0x55: {  	_ =	shalt  }
0x56: {  	_ =	shalt  }
0x57: {  	_ =	shalt  }
0x58: {  	_ =	shalt  }
0x59: {  	_ =	shalt  }
0x5a: {  	_ =	shalt  }
0x5b: {  	_ =	shalt  }
0x5c: {  	_ =	shalt  }
0x5d: {  	_ =	shalt  }
0x5e: {  	_ =	shalt  }
0x5f: {  	_ =	shalt  }
0x60: {  	_ =	shalt  }
0x61: {  	_ =	shalt  }
0x62: {  	_ =	shalt  }
0x63: {  	_ =	shalt  }
0x64: {  	_ =	shalt  }
0x65: {  	_ =	shalt  }
0x66: {  	_ =	shalt  }
0x67: {  	_ =	shalt  }
0x68: {  	_ =	shalt  }
0x69: {  	_ =	shalt  }
0x6a: {  	_ =	shalt  }
0x6b: {  	_ =	shalt  }
0x6c: {  	_ =	shalt  }
0x6d: {  	_ =	shalt  }
0x6e: {  	_ =	shalt  }
0x6f: {  	_ =	shalt  }
0x70: {  	_ =	shalt  }
0x71: {  	_ =	shalt  }
0x72: {  	_ =	shalt  }
0x73: {  	_ =	shalt  }
0x74: {  	_ =	shalt  }
0x75: {  	_ =	shalt  }
0x76: {  	_ =	shalt  }
0x77: {  	_ =	shalt  }
0x78: {  	_ =	shalt  }
0x79: {  	_ =	shalt  }
0x7a: {  	_ =	shalt  }
0x7b: {  	_ =	shalt  }
0x7c: {  	_ =	shalt  }
0x7d: {  	_ =	shalt  }
0x7e: {  	_ =	shalt  }
0x7f: {  	_ =	shalt  }
0x80: {  	_ =	shalt  }
0x81: {  	_ =	shalt  }
0x82: {  	_ =	shalt  }
0x83: {  	_ =	shalt  }
0x84: {  	_ =	shalt  }
0x85: {  	_ =	shalt  }
0x86: {  	_ =	shalt  }
0x87: {  	_ =	shalt  }
.Lfunc_end0:
.L_simem_size_0:
called_computation_lowered:
.L_overlay_start_0:
0x88: {  	s2 =	sld [smem:$0x3FD9]  }
0x89: {  	s3 =	sld [smem:$0x3FFE];
	_ =	sdelay $0x1  }
0x8a: {  	s1 =	srdreg.scid  }
0x8b: {  	s0 =	sand.u32 $0x1, s1  }
0x8c: {  	s14 =	sshll.u32 s0, $0xA;
	s2 =	sadd.s32 s3, s2  }
0x8d: {  	s2 =	sadd.s32 s2, s14  }
0x8e: {  	[smem:$0x3FC6] =	sst s2  }
0x8f: {  	_ = 	snop  }
0x90: {  	s2 =	sld [smem:$0x3FD0];
	_ =	sdelay $0x2  }
0x91: {  	s15 =	simm.s32 $0xA;
	s4 =	simm.s32 $0x10  }
0x92: {  	[smem:s4], [sflag:s15] =	dma.local [hbm:s2], $0x1  }
0x93: {  	_ =	swait.eq [sflag:s15], $0x1  }
0x94: {  	s16 =	sld [smem:$0x11]  }
0x95: {  	s17 =	sld [smem:$0x14];
	[sflag:s15] =	ssyncset.done $0x0  }
0x96: {  	s5 =	sld [smem:$0x15];
	[sflag:s15] =	ssyncadd.s32 $0xFFFFFFFF  }
0x97: {  	s18 =	sld [smem:$0x16];
	(tm) =	ssettm $0x1  }
0x98: {  	s6 =	sld [smem:$0x3FFB];
	_ =	sdelay $0x3  }
0x99: {  	_ =	strace s6  }
0x9a: {  	s6 =	sld [smem:$0x3FFC];
	_ =	sdelay $0x3  }
0x9b: {  	_ =	strace s6  }
0x9c: {  	s6 =	sld [smem:$0x3FFD];
	_ =	sdelay $0x3  }
0x9d: {  	_ =	strace s6  }
0x9e: {  	_ =	strace $0x8FFFFFFF  }
0x9f: {  	s19 =	sld [smem:$0x3FDB];
	_ =	sdelay $0x1  }
0xa0: {  	s7 =	simm.s32 $_scs_section_size  }
0xa1: {  	s8 =	simm.s32 $_size__tile_overlayer_lowered;
	s9 =	simm.s32 $_tile_overlayer_lowered  }
0xa2: {  	s22 =	simm.s32 $0x1BFF;
	s21 =	sshll.u32 s9, $0x1;
	s6 =	sadd.s32 s7, s19  }
0xa3: {  	s10 =	simm.s32 $0x0;
	s20 =	sshll.u32 s8, $0x1;
	s8 =	sadd.s32 s21, s6  }
0xa4: {  	[timem:s10], [sflag:s22] =	dma.local [hbm:s8], s20  }
0xa5: {  	_ =	swait.ge [sflag:s22], s20  }
0xa6: {  	s7 =	ssub.s32 $0x0, s20;
	[sflag:s22] =	ssyncset.done $0x0  }
0xa7: {  	[sflag:s22] =	ssyncadd.s32 s7;
	_ =	sdelay $0x1  }
0xa8: {  	s23 =	simm.s32 $0x1B8B  }
0xa9: {  	_ =	swait.ge [sflag:s23], $0x1  }
0xaa: {  	[sflag:s23] =	ssyncset.done $0x0  }
0xab: {  	s25 =	simm.s32 $0x1B8E;
	s24 =	sld [smem:$0x3FFE];
	[sflag:s23] =	ssyncadd.s32 $0xFFFFFFFF  }
0xac: {  	s26 =	simm.s32 $execute0_lowered;
	[smem:$0x3FD2] =	sst s25  }
0xad: {  	s8 =	sshll.u32 s26, $0x1;
	_ =	strace $0x80000046;
	[dreg:$0x1] =	wrdreg $0xFFFFFFFF  }
0xae: {  	s28 =	simm.s32 $_size_execute0_lowered;
	s6 =	sadd.s32 s6, s8;
	[dreg:$0x0] =	wrdreg $0x0  }
0xaf: {  	s8 =	sshll.u32 s28, $0x1;
	[dreg:$0x2] =	wrdreg s6  }
0xb0: {  	[dreg:$0x3] =	wrdreg s8  }
0xb1: {  	[dreg:$0x4] =	wrdreg $0xC0  }
0xb2: {  	_ =	task [dreg:s10], $0x5FFFF  }
0xb3: {  	[dreg:$0x1] =	wrdreg $0xFFFFFFFF  }
0xb4: {  	[dreg:$0x0] =	wrdreg $0x60  }
0xb5: {  	[dreg:$0x2] =	wrdreg s16  }
0xb6: {  	[dreg:$0x3] =	wrdreg s24  }
0xb7: {  	[dreg:$0x4] =	wrdreg s18  }
0xb8: {  	[dreg:$0x5] =	wrdreg s5  }
0xb9: {  	[dreg:$0x6] =	wrdreg s17  }
0xba: {  	[dreg:$0x7] =	wrdreg $0x9  }
0xbb: {  	_ =	task.clear_ibuf [dreg:s10], $0x8FFFF;
	_ =	strace $0x90000046  }
0xbc: {  	s29 =	simm.s32 $0x9;
	_ =	strace $0x80000048  }
0xbd: {  	_ =	swait.ge [sflag:s29], $0x1  }
0xbe: {  	[sflag:s29] =	ssyncadd.s32 $0xFFFFFFFF  }
0xbf: {  	_ =	strace $0x90000048  }
0xc0: {  	_ =	sfence  }
0xc1: {  	s30 =	sld [smem:$0x0];
	_ =	sdelay $0x2  }
0xc2: {  	s31 =	sshll.u32 s1, $0xD;
	s1 =	sshrl.u32 s1, $0x2  }
0xc3: {  	s3 =	sand.u32 $0x4000, s31;
	s1 =	sadd.s32 s1, s30  }
0xc4: {  	s0 =	sor.u32 s3, s0;
	s1 =	sshll.u32 s1, $0x11  }
0xc5: {  	s0 =	sor.u32 s1, s0  }
0xc6: {  	s0 =	sadd.s32 $0x8F2B, s0  }
0xc7: {  	[sflag:s0] =	ssyncadd.remote.s32 $0x1  }
0xc8: {  	_ =	sfence.sel $0xFFFF  }
0xc9: {  	[dreg:$0x0] =	wrdreg $0xFFFFFFFF;
	(pc) =	sbr.abs _section_cstart, $3  }
0xca: {  	[dreg:$0x1] =	wrdreg $0xFFFFFFFF  }
0xcb: {  	_ =	task.clear_ibuf [dreg:s10], $0x2FFFF;
	_ =	strace $0x9FFFFFFF  }
0xcc: {  	(tm) =	ssettm $0x7FFFFFFF  }
0xcd: {  	_ =	shalt  }
tec
execute0_lowered:
.L_overlay_start_1:
0x0: {  	(tag) =	ssettag $0x1  }
0x1: {  	s7 =	rddreg [dreg:$0x0]  }
0x2: {  	s0 =	rddreg [dreg:$0x1]  }
0x3: {  	s3 =	rddreg [dreg:$0x2]  }
0x4: {  	s1 =	srdreg.scid;
	s4 =	rddreg [dreg:$0x3]  }
0x5: {  	s2 =	stileid.u32;
	s6 =	rddreg [dreg:$0x4]  }
0x6: {  	s13 =	simm.s32 $0x200;
	s12 =	simm.s32 $0x400;
	s11 =	simm.s32 $0x80  }
0x7: {  	s14 =	simm.s32 $0x2600;
	s15 =	simm.s32 $0x100;
	s16 =	simm.s32 $0x4600  }
0x8: {  	s17 =	simm.s32 $0x180;
	s18 =	simm.s32 $0x6600;
	s19 =	simm.s32 $0x280  }
0x9: {  	s20 =	simm.s32 $0xA600;
	s21 =	simm.s32 $0x300;
	s22 =	simm.s32 $0xC600  }
0xa: {  	p0 =	por $0x0, $0x0;
	s28 =	simm.s32 $0x500;
	s29 =	simm.s32 $0x14600  }
0xb: {  	s30 =	simm.s32 $0x580;
	s31 =	simm.s32 $0x16600;
	s1 =	sand.u32 $0x1, s1  }
0xc: {  	s10 =	simm.s32 $0x1;
	s2 =	sshll.u32 s2, $0xA;
	s5 =	sshll.u32 s1, $0x9  }
0xd: {  	s1 =	ssub.s32 $0x2, s1;
	s5 =	sor.u32 s5, s2;
	s2 =	simm.s32 $0x0  }
0xe: {  	s9 =	sshrl.u32 s1, $0x1;
	s8 =	sshrl.u32 s5, $0x3;
	[smem:$0x7FF] =	sst s2  }
0xf: {  	s24 =	sshll.u32 s5, $0x3;
	s1 =	ssub.s32 s1, s9;
	s9 =	simm.s32 $0x10600  }
0x10: {  	s0 =	sadd.s32 s8, s0;
	_ =	strace $0x80000047;
	s25 =	sadd.s32 s3, s24  }
0x11: {  	s5 =	sadd.s32 s4, s24;
	s4 =	sadd.s32 s6, s24;
	s26 =	smax.u32 s1, $0x1  }
0x12: {  	s3 =	simm.s32 $0x2;
	s6 =	simm.s32 $0x600;
	p1 =	sne.s32 s26, $0x1  }
.Ltmp0:
0x13: {  	s8 =	sadd.s32 $0x800, s0;
	[dreg:$0x9] =	wrdreg s25;
	(pc) =	sbr.rel @!p1 .LBB2_3-.Ltmp0, $4  }
0x14: {  	s24 =	simm.s32 $0xE600;
	s23 =	sadd.s32 $0x1000, s0;
	[dreg:$0x6] =	wrdreg s8  }
0x15: {  	s0 =	sadd.s32 $0x1800, s0;
	s25 =	simm.s32 $0x480;
	[dreg:$0x7] =	wrdreg s23  }
0x16: {  	s1 =	sadd.s32 $0xFFFFFFFF, s26;
	s26 =	simm.s32 $0x12600;
	[dreg:$0x8] =	wrdreg s0  }
0x17: {  	s8 =	simm.s32 $0x8600;
	s23 =	simm.s32 $0x380;
	s0 =	rddreg [dreg:$0x6]  }
0x18: {  	[tilespmem:s2], [sflag:$0x2] =	stream.linear.gather [hbm4b:s0+s2], $0x200, $0x38;
	[tilespmem:$0x18600] =	vst v63  }
0x19: {  	_ =	swait.ge [sflag:s3], $0x200  }
0x1a: {  	[sflag:s3] =	ssyncset.done $0x0  }
0x1b: {  	s0 =	rddreg [dreg:$0x7];
	[sflag:s3] =	ssyncadd.s32 $0xFFFFFE00  }
0x1c: {  	[tilespmem:s13], [sflag:$0x2] =	stream.linear.gather [hbm4b:s0+s2], $0x200, $0x38;
	[tilespmem:$0x18600] =	vst v63  }
0x1d: {  	_ =	swait.ge [sflag:s3], $0x200  }
0x1e: {  	[sflag:s3] =	ssyncset.done $0x0  }
0x1f: {  	s0 =	rddreg [dreg:$0x8];
	[sflag:s3] =	ssyncadd.s32 $0xFFFFFE00  }
0x20: {  	[tilespmem:s12], [sflag:$0x2] =	stream.linear.gather [hbm4b:s0+s2], $0x200, $0x38;
	[tilespmem:$0x18600] =	vst v63  }
0x21: {  	_ =	swait.ge [sflag:s3], $0x200  }
0x22: {  	[sflag:s3] =	ssyncset.done $0x0  }
0x23: {  	[sflag:s3] =	ssyncadd.s32 $0xFFFFFE00  }
0x24: {  	[tilespmem:s6], [sflag:$0x1] =	stream.indirect.gather [hbm4b:s7+s11], $0x40, s2, s11, $0xb8;
	[tilespmem:$0x18600] =	vst v63  }
0x25: {  	_ = 	snop  }
0x26: {  	[tilespmem:s14], [sflag:$0x1] =	stream.indirect.gather [hbm4b:s7+s11], $0x40, s11, s11, $0xb8;
	[tilespmem:$0x18600] =	vst v63  }
0x27: {  	_ = 	snop  }
0x28: {  	[tilespmem:s16], [sflag:$0x1] =	stream.indirect.gather [hbm4b:s7+s11], $0x40, s15, s11, $0xb8;
	[tilespmem:$0x18600] =	vst v63  }
0x29: {  	_ = 	snop  }
0x2a: {  	[tilespmem:s18], [sflag:$0x1] =	stream.indirect.gather [hbm4b:s7+s11], $0x40, s17, s11, $0xb8;
	[tilespmem:$0x18600] =	vst v63  }
0x2b: {  	_ = 	snop  }
0x2c: {  	[tilespmem:s8], [sflag:$0x1] =	stream.indirect.gather [hbm4b:s7+s11], $0x40, s13, s11, $0xb8;
	[tilespmem:$0x18600] =	vst v63  }
0x2d: {  	_ = 	snop  }
0x2e: {  	[tilespmem:s20], [sflag:$0x1] =	stream.indirect.gather [hbm4b:s7+s11], $0x40, s19, s11, $0xb8;
	[tilespmem:$0x18600] =	vst v63  }
0x2f: {  	_ = 	snop  }
0x30: {  	[tilespmem:s22], [sflag:$0x1] =	stream.indirect.gather [hbm4b:s7+s11], $0x40, s21, s11, $0xb8;
	[tilespmem:$0x18600] =	vst v63  }
0x31: {  	_ = 	snop  }
0x32: {  	[tilespmem:s24], [sflag:$0x1] =	stream.indirect.gather [hbm4b:s7+s11], $0x40, s23, s11, $0xb8;
	[tilespmem:$0x18600] =	vst v63  }
0x33: {  	_ = 	snop  }
0x34: {  	[tilespmem:s9], [sflag:$0x1] =	stream.indirect.gather [hbm4b:s7+s11], $0x40, s12, s11, $0xb8;
	[tilespmem:$0x18600] =	vst v63  }
0x35: {  	_ = 	snop  }
0x36: {  	[tilespmem:s26], [sflag:$0x1] =	stream.indirect.gather [hbm4b:s7+s11], $0x40, s25, s11, $0xb8;
	[tilespmem:$0x18600] =	vst v63  }
0x37: {  	_ = 	snop  }
0x38: {  	[tilespmem:s29], [sflag:$0x1] =	stream.indirect.gather [hbm4b:s7+s11], $0x40, s28, s11, $0xb8;
	[tilespmem:$0x18600] =	vst v63  }
0x39: {  	_ = 	snop  }
0x3a: {  	[tilespmem:s31], [sflag:$0x1] =	stream.indirect.gather [hbm4b:s7+s11], $0x40, s30, s11, $0xb8;
	[tilespmem:$0x18600] =	vst v63  }
0x3b: {  	_ =	swait.ge [sflag:s10], $0x2000  }
0x3c: {  	[sflag:s10] =	ssyncset.done $0x0  }
0x3d: {  	[sflag:s10] =	ssyncadd.s32 $0xFFFFE000  }
0x3e: {  	_ =	swait.ge [sflag:s10], $0x2000  }
0x3f: {  	[sflag:s10] =	ssyncset.done $0x0  }
0x40: {  	[sflag:s10] =	ssyncadd.s32 $0xFFFFE000  }
0x41: {  	_ =	swait.ge [sflag:s10], $0x2000  }
0x42: {  	[sflag:s10] =	ssyncset.done $0x0  }
0x43: {  	[sflag:s10] =	ssyncadd.s32 $0xFFFFE000  }
0x44: {  	_ =	swait.ge [sflag:s10], $0x2000  }
0x45: {  	[sflag:s10] =	ssyncset.done $0x0  }
0x46: {  	[sflag:s10] =	ssyncadd.s32 $0xFFFFE000  }
0x47: {  	_ =	swait.ge [sflag:s10], $0x2000  }
0x48: {  	[sflag:s10] =	ssyncset.done $0x0  }
0x49: {  	[sflag:s10] =	ssyncadd.s32 $0xFFFFE000  }
0x4a: {  	_ =	swait.ge [sflag:s10], $0x2000  }
0x4b: {  	[sflag:s10] =	ssyncset.done $0x0  }
0x4c: {  	[sflag:s10] =	ssyncadd.s32 $0xFFFFE000  }
0x4d: {  	_ =	swait.ge [sflag:s10], $0x2000  }
0x4e: {  	[sflag:s10] =	ssyncset.done $0x0  }
0x4f: {  	[sflag:s10] =	ssyncadd.s32 $0xFFFFE000  }
0x50: {  	_ =	swait.ge [sflag:s10], $0x2000  }
0x51: {  	[sflag:s10] =	ssyncset.done $0x0  }
0x52: {  	[sflag:s10] =	ssyncadd.s32 $0xFFFFE000  }
0x53: {  	_ =	swait.ge [sflag:s10], $0x2000  }
0x54: {  	[sflag:s10] =	ssyncset.done $0x0  }
0x55: {  	[sflag:s10] =	ssyncadd.s32 $0xFFFFE000  }
0x56: {  	_ =	swait.ge [sflag:s10], $0x2000  }
0x57: {  	[sflag:s10] =	ssyncset.done $0x0  }
0x58: {  	[sflag:s10] =	ssyncadd.s32 $0xFFFFE000  }
0x59: {  	_ =	swait.ge [sflag:s10], $0x2000  }
0x5a: {  	[sflag:s10] =	ssyncset.done $0x0  }
0x5b: {  	[sflag:s10] =	ssyncadd.s32 $0xFFFFE000  }
0x5c: {  	_ =	swait.ge [sflag:s10], $0x2000  }
0x5d: {  	[sflag:s10] =	ssyncset.done $0x0  }
0x5e: {  	s0 =	rddreg [dreg:$0x9];
	[sflag:s10] =	ssyncadd.s32 $0xFFFFE000  }
0x5f: {  	[hbm4b:s0+s2] =	stream.linear.scatter [tilespmem:s6], [sflag:$0x2], $0x8000, $0x38;
	[tilespmem:$0x18600] =	vst v63  }
0x60: {  	_ =	swait.ge [sflag:s3], $0x8000  }
0x61: {  	[sflag:s3] =	ssyncset.done $0x0  }
0x62: {  	[sflag:s3] =	ssyncadd.s32 $0xFFFF8000  }
0x63: {  	[hbm4b:s5+s2] =	stream.linear.scatter [tilespmem:s8], [sflag:$0x2], $0x8000, $0x38;
	[tilespmem:$0x18600] =	vst v63  }
0x64: {  	p1 =	sne.s32 s1, $0x1;
	_ =	swait.ge [sflag:s3], $0x8000  }
.Ltmp1:
0x65: {  	[sflag:s3] =	ssyncset.done $0x0;
	(pc) =	sbr.rel @!p1 .LBB2_3-.Ltmp1, $4  }
0x66: {  	[sflag:s3] =	ssyncadd.s32 $0xFFFF8000  }
0x67: {  	[hbm4b:s4+s2] =	stream.linear.scatter [tilespmem:s9], [sflag:$0x2], $0x8000, $0x38;
	[tilespmem:$0x18600] =	vst v63  }
0x68: {  	s1 =	sadd.s32 $0xFFFFFFFF, s1;
	_ =	swait.ge [sflag:s3], $0x8000  }
0x69: {  	p0 =	por $0x1, $0x1;
	s0 =	rddreg [dreg:$0x6];
	[sflag:s3] =	ssyncset.done $0x0  }
.LBB2_2:
0x6a: {  	[sflag:s3] =	ssyncadd.s32 $0xFFFF8000  }
0x6b: {  	[tilespmem:s2], [sflag:$0x2] =	stream.linear.gather [hbm4b:s0+s2], $0x200, $0x38;
	[tilespmem:$0x18600] =	vst v63  }
0x6c: {  	_ =	swait.ge [sflag:s3], $0x200  }
0x6d: {  	[sflag:s3] =	ssyncset.done $0x0  }
0x6e: {  	s0 =	rddreg [dreg:$0x7];
	[sflag:s3] =	ssyncadd.s32 $0xFFFFFE00  }
0x6f: {  	[tilespmem:s13], [sflag:$0x2] =	stream.linear.gather [hbm4b:s0+s2], $0x200, $0x38;
	[tilespmem:$0x18600] =	vst v63  }
0x70: {  	_ =	swait.ge [sflag:s3], $0x200  }
0x71: {  	[sflag:s3] =	ssyncset.done $0x0  }
0x72: {  	s0 =	rddreg [dreg:$0x8];
	[sflag:s3] =	ssyncadd.s32 $0xFFFFFE00  }
0x73: {  	[tilespmem:s12], [sflag:$0x2] =	stream.linear.gather [hbm4b:s0+s2], $0x200, $0x38;
	[tilespmem:$0x18600] =	vst v63  }
0x74: {  	_ =	swait.ge [sflag:s3], $0x200  }
0x75: {  	[sflag:s3] =	ssyncset.done $0x0  }
0x76: {  	[sflag:s3] =	ssyncadd.s32 $0xFFFFFE00  }
0x77: {  	[tilespmem:s6], [sflag:$0x1] =	stream.indirect.gather [hbm4b:s7+s11], $0x40, s2, s11, $0xb8;
	[tilespmem:$0x18600] =	vst v63  }
0x78: {  	_ = 	snop  }
0x79: {  	[tilespmem:s14], [sflag:$0x1] =	stream.indirect.gather [hbm4b:s7+s11], $0x40, s11, s11, $0xb8;
	[tilespmem:$0x18600] =	vst v63  }
0x7a: {  	_ = 	snop  }
0x7b: {  	[tilespmem:s16], [sflag:$0x1] =	stream.indirect.gather [hbm4b:s7+s11], $0x40, s15, s11, $0xb8;
	[tilespmem:$0x18600] =	vst v63  }
0x7c: {  	_ = 	snop  }
0x7d: {  	[tilespmem:s18], [sflag:$0x1] =	stream.indirect.gather [hbm4b:s7+s11], $0x40, s17, s11, $0xb8;
	[tilespmem:$0x18600] =	vst v63  }
0x7e: {  	_ = 	snop  }
0x7f: {  	[tilespmem:s8], [sflag:$0x1] =	stream.indirect.gather [hbm4b:s7+s11], $0x40, s13, s11, $0xb8;
	[tilespmem:$0x18600] =	vst v63  }
0x80: {  	_ = 	snop  }
0x81: {  	[tilespmem:s20], [sflag:$0x1] =	stream.indirect.gather [hbm4b:s7+s11], $0x40, s19, s11, $0xb8;
	[tilespmem:$0x18600] =	vst v63  }
0x82: {  	_ = 	snop  }
0x83: {  	[tilespmem:s22], [sflag:$0x1] =	stream.indirect.gather [hbm4b:s7+s11], $0x40, s21, s11, $0xb8;
	[tilespmem:$0x18600] =	vst v63  }
0x84: {  	_ = 	snop  }
0x85: {  	[tilespmem:s24], [sflag:$0x1] =	stream.indirect.gather [hbm4b:s7+s11], $0x40, s23, s11, $0xb8;
	[tilespmem:$0x18600] =	vst v63  }
0x86: {  	_ = 	snop  }
0x87: {  	[tilespmem:s9], [sflag:$0x1] =	stream.indirect.gather [hbm4b:s7+s11], $0x40, s12, s11, $0xb8;
	[tilespmem:$0x18600] =	vst v63  }
0x88: {  	_ = 	snop  }
0x89: {  	[tilespmem:s26], [sflag:$0x1] =	stream.indirect.gather [hbm4b:s7+s11], $0x40, s25, s11, $0xb8;
	[tilespmem:$0x18600] =	vst v63  }
0x8a: {  	_ = 	snop  }
0x8b: {  	[tilespmem:s29], [sflag:$0x1] =	stream.indirect.gather [hbm4b:s7+s11], $0x40, s28, s11, $0xb8;
	[tilespmem:$0x18600] =	vst v63  }
0x8c: {  	_ = 	snop  }
0x8d: {  	[tilespmem:s31], [sflag:$0x1] =	stream.indirect.gather [hbm4b:s7+s11], $0x40, s30, s11, $0xb8;
	[tilespmem:$0x18600] =	vst v63  }
0x8e: {  	_ =	swait.ge [sflag:s10], $0x2000  }
0x8f: {  	[sflag:s10] =	ssyncset.done $0x0  }
0x90: {  	[sflag:s10] =	ssyncadd.s32 $0xFFFFE000  }
0x91: {  	_ =	swait.ge [sflag:s10], $0x2000  }
0x92: {  	[sflag:s10] =	ssyncset.done $0x0  }
0x93: {  	[sflag:s10] =	ssyncadd.s32 $0xFFFFE000  }
0x94: {  	_ =	swait.ge [sflag:s10], $0x2000  }
0x95: {  	[sflag:s10] =	ssyncset.done $0x0  }
0x96: {  	[sflag:s10] =	ssyncadd.s32 $0xFFFFE000  }
0x97: {  	_ =	swait.ge [sflag:s10], $0x2000  }
0x98: {  	[sflag:s10] =	ssyncset.done $0x0  }
0x99: {  	[sflag:s10] =	ssyncadd.s32 $0xFFFFE000  }
0x9a: {  	_ =	swait.ge [sflag:s10], $0x2000  }
0x9b: {  	[sflag:s10] =	ssyncset.done $0x0  }
0x9c: {  	[sflag:s10] =	ssyncadd.s32 $0xFFFFE000  }
0x9d: {  	_ =	swait.ge [sflag:s10], $0x2000  }
0x9e: {  	[sflag:s10] =	ssyncset.done $0x0  }
0x9f: {  	[sflag:s10] =	ssyncadd.s32 $0xFFFFE000  }
0xa0: {  	_ =	swait.ge [sflag:s10], $0x2000  }
0xa1: {  	[sflag:s10] =	ssyncset.done $0x0  }
0xa2: {  	[sflag:s10] =	ssyncadd.s32 $0xFFFFE000  }
0xa3: {  	_ =	swait.ge [sflag:s10], $0x2000  }
0xa4: {  	[sflag:s10] =	ssyncset.done $0x0  }
0xa5: {  	[sflag:s10] =	ssyncadd.s32 $0xFFFFE000  }
0xa6: {  	_ =	swait.ge [sflag:s10], $0x2000  }
0xa7: {  	[sflag:s10] =	ssyncset.done $0x0  }
0xa8: {  	[sflag:s10] =	ssyncadd.s32 $0xFFFFE000  }
0xa9: {  	_ =	swait.ge [sflag:s10], $0x2000  }
0xaa: {  	[sflag:s10] =	ssyncset.done $0x0  }
0xab: {  	[sflag:s10] =	ssyncadd.s32 $0xFFFFE000  }
0xac: {  	_ =	swait.ge [sflag:s10], $0x2000  }
0xad: {  	[sflag:s10] =	ssyncset.done $0x0  }
0xae: {  	[sflag:s10] =	ssyncadd.s32 $0xFFFFE000  }
0xaf: {  	_ =	swait.ge [sflag:s10], $0x2000  }
0xb0: {  	[sflag:s10] =	ssyncset.done $0x0  }
0xb1: {  	s0 =	rddreg [dreg:$0x9];
	[sflag:s10] =	ssyncadd.s32 $0xFFFFE000  }
0xb2: {  	[hbm4b:s0+s2] =	stream.linear.scatter [tilespmem:s6], [sflag:$0x2], $0x8000, $0x38;
	[tilespmem:$0x18600] =	vst v63  }
0xb3: {  	_ =	swait.ge [sflag:s3], $0x8000  }
0xb4: {  	[sflag:s3] =	ssyncset.done $0x0  }
0xb5: {  	[sflag:s3] =	ssyncadd.s32 $0xFFFF8000  }
0xb6: {  	[hbm4b:s5+s2] =	stream.linear.scatter [tilespmem:s8], [sflag:$0x2], $0x8000, $0x38;
	[tilespmem:$0x18600] =	vst v63  }
0xb7: {  	p1 =	sne.s32 s1, $0x1;
	_ =	swait.ge [sflag:s3], $0x8000  }
.Ltmp2:
0xb8: {  	[sflag:s3] =	ssyncset.done $0x0;
	(pc) =	sbr.rel @p1 .LBB2_2-.Ltmp2, $4  }
0xb9: {  	[sflag:s3] =	ssyncadd.s32 $0xFFFF8000  }
0xba: {  	[hbm4b:s4+s2] =	stream.linear.scatter [tilespmem:s9], [sflag:$0x2], $0x8000, $0x38;
	[tilespmem:$0x18600] =	vst v63  }
0xbb: {  	_ =	swait.ge [sflag:s3], $0x8000  }
0xbc: {  	s1 =	sadd.s32 $0xFFFFFFFF, s1;
	s0 =	rddreg [dreg:$0x6];
	[sflag:s3] =	ssyncset.done $0x0  }
.LBB2_3:
0xbd: {  	[sflag:s3] =	ssyncadd.s32 @p0 $0xFFFF8000  }
0xbe: {  	[tilespmem:s2], [sflag:$0x2] =	stream.linear.gather [hbm4b:s0+s2], $0x200, $0x38;
	[tilespmem:$0x18600] =	vst v63  }
0xbf: {  	_ =	swait.ge [sflag:s3], $0x200  }
0xc0: {  	[sflag:s3] =	ssyncset.done $0x0  }
0xc1: {  	s1 =	rddreg [dreg:$0x7];
	[sflag:s3] =	ssyncadd.s32 $0xFFFFFE00  }
0xc2: {  	[tilespmem:s13], [sflag:$0x2] =	stream.linear.gather [hbm4b:s1+s2], $0x200, $0x38;
	[tilespmem:$0x18600] =	vst v63  }
0xc3: {  	_ =	swait.ge [sflag:s3], $0x200  }
0xc4: {  	[sflag:s3] =	ssyncset.done $0x0  }
0xc5: {  	s1 =	rddreg [dreg:$0x8];
	[sflag:s3] =	ssyncadd.s32 $0xFFFFFE00  }
0xc6: {  	[tilespmem:s12], [sflag:$0x2] =	stream.linear.gather [hbm4b:s1+s2], $0x200, $0x38;
	[tilespmem:$0x18600] =	vst v63  }
0xc7: {  	_ =	swait.ge [sflag:s3], $0x200  }
0xc8: {  	[sflag:s3] =	ssyncset.done $0x0  }
0xc9: {  	[sflag:s3] =	ssyncadd.s32 $0xFFFFFE00  }
0xca: {  	[tilespmem:s6], [sflag:$0x1] =	stream.indirect.gather [hbm4b:s7+s11], $0x40, s2, s11, $0xb8;
	[tilespmem:$0x18600] =	vst v63  }
0xcb: {  	_ = 	snop  }
0xcc: {  	[tilespmem:s14], [sflag:$0x1] =	stream.indirect.gather [hbm4b:s7+s11], $0x40, s11, s11, $0xb8;
	[tilespmem:$0x18600] =	vst v63  }
0xcd: {  	_ = 	snop  }
0xce: {  	[tilespmem:s16], [sflag:$0x1] =	stream.indirect.gather [hbm4b:s7+s11], $0x40, s15, s11, $0xb8;
	[tilespmem:$0x18600] =	vst v63  }
0xcf: {  	_ = 	snop  }
0xd0: {  	[tilespmem:s18], [sflag:$0x1] =	stream.indirect.gather [hbm4b:s7+s11], $0x40, s17, s11, $0xb8;
	[tilespmem:$0x18600] =	vst v63  }
0xd1: {  	_ = 	snop  }
0xd2: {  	[tilespmem:s8], [sflag:$0x1] =	stream.indirect.gather [hbm4b:s7+s11], $0x40, s13, s11, $0xb8;
	[tilespmem:$0x18600] =	vst v63  }
0xd3: {  	_ = 	snop  }
0xd4: {  	[tilespmem:s20], [sflag:$0x1] =	stream.indirect.gather [hbm4b:s7+s11], $0x40, s19, s11, $0xb8;
	[tilespmem:$0x18600] =	vst v63  }
0xd5: {  	_ = 	snop  }
0xd6: {  	[tilespmem:s22], [sflag:$0x1] =	stream.indirect.gather [hbm4b:s7+s11], $0x40, s21, s11, $0xb8;
	[tilespmem:$0x18600] =	vst v63  }
0xd7: {  	_ = 	snop  }
0xd8: {  	[tilespmem:s24], [sflag:$0x1] =	stream.indirect.gather [hbm4b:s7+s11], $0x40, s23, s11, $0xb8;
	[tilespmem:$0x18600] =	vst v63  }
0xd9: {  	_ = 	snop  }
0xda: {  	[tilespmem:s9], [sflag:$0x1] =	stream.indirect.gather [hbm4b:s7+s11], $0x40, s12, s11, $0xb8;
	[tilespmem:$0x18600] =	vst v63  }
0xdb: {  	_ = 	snop  }
0xdc: {  	[tilespmem:s26], [sflag:$0x1] =	stream.indirect.gather [hbm4b:s7+s11], $0x40, s25, s11, $0xb8;
	[tilespmem:$0x18600] =	vst v63  }
0xdd: {  	_ = 	snop  }
0xde: {  	[tilespmem:s29], [sflag:$0x1] =	stream.indirect.gather [hbm4b:s7+s11], $0x40, s28, s11, $0xb8;
	[tilespmem:$0x18600] =	vst v63  }
0xdf: {  	_ = 	snop  }
0xe0: {  	[tilespmem:s31], [sflag:$0x1] =	stream.indirect.gather [hbm4b:s7+s11], $0x40, s30, s11, $0xb8;
	[tilespmem:$0x18600] =	vst v63  }
0xe1: {  	_ =	swait.ge [sflag:s10], $0x2000  }
0xe2: {  	[sflag:s10] =	ssyncset.done $0x0  }
0xe3: {  	[sflag:s10] =	ssyncadd.s32 $0xFFFFE000  }
0xe4: {  	_ =	swait.ge [sflag:s10], $0x2000  }
0xe5: {  	[sflag:s10] =	ssyncset.done $0x0  }
0xe6: {  	[sflag:s10] =	ssyncadd.s32 $0xFFFFE000  }
0xe7: {  	_ =	swait.ge [sflag:s10], $0x2000  }
0xe8: {  	[sflag:s10] =	ssyncset.done $0x0  }
0xe9: {  	[sflag:s10] =	ssyncadd.s32 $0xFFFFE000  }
0xea: {  	_ =	swait.ge [sflag:s10], $0x2000  }
0xeb: {  	[sflag:s10] =	ssyncset.done $0x0  }
0xec: {  	[sflag:s10] =	ssyncadd.s32 $0xFFFFE000  }
0xed: {  	_ =	swait.ge [sflag:s10], $0x2000  }
0xee: {  	[sflag:s10] =	ssyncset.done $0x0  }
0xef: {  	[sflag:s10] =	ssyncadd.s32 $0xFFFFE000  }
0xf0: {  	_ =	swait.ge [sflag:s10], $0x2000  }
0xf1: {  	[sflag:s10] =	ssyncset.done $0x0  }
0xf2: {  	[sflag:s10] =	ssyncadd.s32 $0xFFFFE000  }
0xf3: {  	_ =	swait.ge [sflag:s10], $0x2000  }
0xf4: {  	[sflag:s10] =	ssyncset.done $0x0  }
0xf5: {  	[sflag:s10] =	ssyncadd.s32 $0xFFFFE000  }
0xf6: {  	_ =	swait.ge [sflag:s10], $0x2000  }
0xf7: {  	[sflag:s10] =	ssyncset.done $0x0  }
0xf8: {  	[sflag:s10] =	ssyncadd.s32 $0xFFFFE000  }
0xf9: {  	_ =	swait.ge [sflag:s10], $0x2000  }
0xfa: {  	[sflag:s10] =	ssyncset.done $0x0  }
0xfb: {  	[sflag:s10] =	ssyncadd.s32 $0xFFFFE000  }
0xfc: {  	_ =	swait.ge [sflag:s10], $0x2000  }
0xfd: {  	[sflag:s10] =	ssyncset.done $0x0  }
0xfe: {  	[sflag:s10] =	ssyncadd.s32 $0xFFFFE000  }
0xff: {  	_ =	swait.ge [sflag:s10], $0x2000  }
0x100: {  	[sflag:s10] =	ssyncset.done $0x0  }
0x101: {  	[sflag:s10] =	ssyncadd.s32 $0xFFFFE000  }
0x102: {  	_ =	swait.ge [sflag:s10], $0x2000  }
0x103: {  	[sflag:s10] =	ssyncset.done $0x0  }
0x104: {  	s30 =	rddreg [dreg:$0x9];
	[sflag:s10] =	ssyncadd.s32 $0xFFFFE000  }
0x105: {  	[hbm4b:s30+s2] =	stream.linear.scatter [tilespmem:s6], [sflag:$0x2], $0x8000, $0x38;
	[tilespmem:$0x18600] =	vst v63  }
0x106: {  	_ =	swait.ge [sflag:s3], $0x8000  }
0x107: {  	[sflag:s3] =	ssyncset.done $0x0  }
0x108: {  	[sflag:s3] =	ssyncadd.s32 $0xFFFF8000  }
0x109: {  	[hbm4b:s5+s2] =	stream.linear.scatter [tilespmem:s8], [sflag:$0x2], $0x8000, $0x38;
	[tilespmem:$0x18600] =	vst v63  }
0x10a: {  	_ =	swait.ge [sflag:s3], $0x8000  }
0x10b: {  	[sflag:s3] =	ssyncset.done $0x0  }
0x10c: {  	[sflag:s3] =	ssyncadd.s32 $0xFFFF8000  }
0x10d: {  	[hbm4b:s4+s2] =	stream.linear.scatter [tilespmem:s9], [sflag:$0x2], $0x8000, $0x38;
	[tilespmem:$0x18600] =	vst v63  }
0x10e: {  	_ =	swait.ge [sflag:s3], $0x8000  }
0x10f: {  	[sflag:s3] =	ssyncset.done $0x0  }
0x110: {  	[sflag:s3] =	ssyncadd.s32 $0xFFFF8000  }
0x111: {  	_ =	sfence.sel $0x180000  }
0x112: {  	[bflag:$0x0] =	sbarrier.arrive $0xFFFF  }
0x113: {  	_ =	strace $0x90000047  }
0x114: {  	s31 =	stileid.u32;
	[bflag:$0x2] =	sbarrier.arrive $0xFFFF  }
0x115: {  	p0 =	sne.s32 s31, $0x0;
	s0 =	rddreg [dreg:$0x5]  }
0x116: {  	s0 =	sadd.s32 @!p0 $0x100000, s0  }
0x117: {  	[sflag:s0] =	ssyncadd.tile.s32 @!p0 $0x1;
	_ =	shalt  }
.Lfunc_end2:
_tile_overlayer_lowered:
.L_overlay_start_2:
0x118: {  	(tag) =	ssettag $0x2  }
0x119: {  	s0 =	rddreg [dreg:$0x0];
	s2 =	stileid.u32  }
0x11a: {  	s1 =	rddreg [dreg:$0x1];
	p0 =	sne.s32 s2, $0x0  }
0x11b: {  	s3 =	rddreg [dreg:$0x2];
	[bflag:$0x3] =	sbarrier.arrive $0xFFFF;
	s2 =	simm.s32 @!p0 $0x1C02  }
0x11c: {  	[timem:s3], [sflag:s2] =	dma.local @!p0 [hbm:s0], s1  }
0x11d: {  	s0 =	simm.s32 @!p0 $0x2  }
0x11e: {  	_ =	swait.ge @!p0 [sflag:s0], s1  }
0x11f: {  	s1 =	ssub.s32 @!p0 $0x0, s1;
	[sflag:s0] =	ssyncset.done @!p0 $0x0  }
0x120: {  	[sflag:s0] =	ssyncadd.s32 @!p0 s1  }
0x121: {  	[bflag:$0x3] =	sbarrier.arrive $0xFFFF  }
0x122: {  	_ =	shalt  }

</sc_bundles>
